<compile_context>
chip_gen: v7x
topology: tpu7x:2x2x1
jax: 0.10.2.dev20260603
libtpu: 0.0.44.dev20260713+nightly
codegen_flags: <defaults>
</compile_context>

<pallas_src>
import functools

import jax
import jax.numpy as jnp
import numpy as np
from jax import lax
from jax.experimental import pallas as pl
from jax.experimental.pallas import tpu as pltpu
from jax.experimental.pallas import tpu_sc as plsc

_T, _B, _C = 1024, 128, 768
_REMAIN = _T // 2
_NC, _NS = 2, 16
_NW = _NC * _NS
_ROWS = _REMAIN * _B
_RPW = _ROWS // _NW
_CHUNK = 16
_NCHUNK = _RPW // _CHUNK
_LAG = 4
_NBUF = 2 * _LAG


def _build_indexes():
    side = int(np.sqrt(_T))
    rng = np.random.RandomState(0)
    rands = rng.randint(0, 2, size=_B)
    fi0 = np.arange(_T).reshape(side, side)
    fwd = np.empty((_T, _B), np.int32)
    bwd = np.empty((_T, _B), np.int32)
    for b in range(_B):
        if rands[b] == 0:
            fi = np.concatenate((fi0[0::2], fi0[1::2])).reshape(-1)
        else:
            fi = np.concatenate((fi0[1::2], fi0[0::2])).reshape(-1)
        fwd[:, b] = fi
        bwd[:, b] = np.argsort(fi)
    return fwd, bwd


_FWD, _BWD = _build_indexes()
_SRC = (_FWD[:_REMAIN].astype(np.int64) * _B + np.arange(_B)[None, :]).astype(
    np.int32
).reshape(_NW, _NCHUNK, _CHUNK)

_mesh = plsc.VectorSubcoreMesh(core_axis_name="c", subcore_axis_name="s")


@functools.partial(
    pl.kernel,
    out_type=jax.ShapeDtypeStruct((_ROWS, _C), jnp.float32),
    mesh=_mesh,
    scratch_types=[
        pltpu.VMEM((_NCHUNK, _CHUNK), jnp.int32),
    ]
    + [pltpu.VMEM((_CHUNK, _C), jnp.float32) for _ in range(_NBUF)]
    + [pltpu.SemaphoreType.DMA for _ in range(2 * _NBUF)],
)
def _sc_gather(table_hbm, idx_hbm, out_hbm, idx_v, *scratch):
    bufs = scratch[:_NBUF]
    gsems = scratch[_NBUF : 2 * _NBUF]
    osems = scratch[2 * _NBUF :]
    wid = lax.axis_index("s") * _NC + lax.axis_index("c")
    base = wid * _RPW
    pltpu.sync_copy(idx_hbm.at[wid], idx_v)

    def _out_slice(g):
        return out_hbm.at[pl.ds(base + g * _CHUNK, _CHUNK)]

    def _wait_gather(g, b):
        pltpu.make_async_copy(table_hbm.at[idx_v.at[g]], bufs[b], gsems[b]).wait()

    def _wait_out(g, b):
        pltpu.make_async_copy(bufs[b], _out_slice(g), osems[b]).wait()

    for c in range(_LAG):
        pltpu.async_copy(table_hbm.at[idx_v.at[c]], bufs[c], gsems[c])
    for g in range(_LAG):
        _wait_gather(g, g)
        pltpu.async_copy(bufs[g], _out_slice(g), osems[g])
        pltpu.async_copy(table_hbm.at[idx_v.at[g + _LAG]], bufs[g + _LAG], gsems[g + _LAG])

    @pl.loop(_LAG, _NCHUNK - _LAG, step=_NBUF)
    def _(g0):
        for b in range(_NBUF):
            g = g0 + b
            bg = (_LAG + b) % _NBUF
            bo = b
            _wait_gather(g, bg)
            pltpu.async_copy(bufs[bg], _out_slice(g), osems[bg])
            _wait_out(g - _LAG, bo)
            pltpu.async_copy(table_hbm.at[idx_v.at[g + _LAG]], bufs[bo], gsems[bo])

    for g in range(_NCHUNK - _LAG, _NCHUNK):
        b = g % _NBUF
        _wait_gather(g, b)
        pltpu.async_copy(bufs[b], _out_slice(g), osems[b])
        _wait_out(g - _LAG, (g - _LAG) % _NBUF)
    for g in range(_NCHUNK - _LAG, _NCHUNK):
        _wait_out(g, g % _NBUF)


def kernel(patches):
    T, B, C = patches.shape
    assert (T, B, C) == (_T, _B, _C)
    table = patches.reshape(T * B, C)
    out = _sc_gather(table, jnp.asarray(_SRC))
    return (
        out.reshape(_REMAIN, B, C),
        jnp.asarray(_FWD),
        jnp.asarray(_BWD),
    )

# --- scband reference (transcript-rebuilt; emitter-appended) ---
"""Pipeline reference for scband-patch-shuffle-horizontal-12180527252041 (READ-ONLY COPY).

The authoritative reference and input builder live on the scoring server;
editing this copy changes nothing except your own understanding.
"""

import jax, jax.numpy as jnp
import numpy as np
import math


def _horizontal_indexes(size: int, rand: int):
    side = int(math.sqrt(size))
    fi = np.arange(size).reshape(side, side)
    if rand == 0:
        fi = np.concatenate((fi[0::2, :], fi[1::2, :])).reshape(-1)
    else:
        fi = np.concatenate((fi[1::2, :], fi[0::2, :])).reshape(-1)
    bi = np.argsort(fi)
    return fi, bi


def setup_inputs(seed: int = 0) -> dict:
    key = jax.random.key(seed)
    patches = jax.random.normal(key, (1024, 128, 768), dtype=jnp.float32)
    return {"patches": patches}


def reference(patches):
    T, B, C = patches.shape
    remain_T = int(T * (1 - 0.5))
    # per-sample random choice of row-interleave order (seeded for determinism;
    # original uses python random.randint(0, 1) per batch element)
    rng = np.random.RandomState(0)
    rands = rng.randint(0, 2, size=B)
    indexes = [_horizontal_indexes(T, int(r)) for r in rands]
    forward_indexes = jnp.asarray(np.stack([i[0] for i in indexes], axis=-1), dtype=jnp.int32)  # [T, B]
    backward_indexes = jnp.asarray(np.stack([i[1] for i in indexes], axis=-1), dtype=jnp.int32)  # [T, B]
    # take_indexes: gather along token dim with index broadcast over channels
    idx = jnp.broadcast_to(forward_indexes[:, :, None], (T, B, C))
    shuffled = jnp.take_along_axis(patches, idx, axis=0)
    out = shuffled[:remain_T]
    return (out, forward_indexes, backward_indexes)

if __name__ == "__main__":
    import jax
    _d = setup_inputs()
    print(jax.jit(kernel)(*tuple(_d.values())))

</pallas_src>

<mosaic_0001>
#map = affine_map<(d0, d1) -> (0, 0)>
#map1 = affine_map<(d0, d1) -> (0, 0, 0)>
module attributes {stable_mosaic.version = 14 : i64} {
  func.func @_sc_gather(%arg0: i32, %arg1: i32, %arg2: memref<131072x768xf32, #tpu.memory_space<hbm>>, %arg3: memref<32x128x16xi32, #tpu.memory_space<hbm>>, %arg4: memref<65536x768xf32, #tpu.memory_space<hbm>>, %arg5: memref<128x16xi32, #tpu.memory_space<vmem>>, %arg6: memref<16x768xf32, #tpu.memory_space<vmem>>, %arg7: memref<16x768xf32, #tpu.memory_space<vmem>>, %arg8: memref<16x768xf32, #tpu.memory_space<vmem>>, %arg9: memref<16x768xf32, #tpu.memory_space<vmem>>, %arg10: memref<16x768xf32, #tpu.memory_space<vmem>>, %arg11: memref<16x768xf32, #tpu.memory_space<vmem>>, %arg12: memref<16x768xf32, #tpu.memory_space<vmem>>, %arg13: memref<16x768xf32, #tpu.memory_space<vmem>>, %arg14: memref<!tpu.dma_semaphore, #tpu.memory_space<semaphore_mem>>, %arg15: memref<!tpu.dma_semaphore, #tpu.memory_space<semaphore_mem>>, %arg16: memref<!tpu.dma_semaphore, #tpu.memory_space<semaphore_mem>>, %arg17: memref<!tpu.dma_semaphore, #tpu.memory_space<semaphore_mem>>, %arg18: memref<!tpu.dma_semaphore, #tpu.memory_space<semaphore_mem>>, %arg19: memref<!tpu.dma_semaphore, #tpu.memory_space<semaphore_mem>>, %arg20: memref<!tpu.dma_semaphore, #tpu.memory_space<semaphore_mem>>, %arg21: memref<!tpu.dma_semaphore, #tpu.memory_space<semaphore_mem>>, %arg22: memref<!tpu.dma_semaphore, #tpu.memory_space<semaphore_mem>>, %arg23: memref<!tpu.dma_semaphore, #tpu.memory_space<semaphore_mem>>, %arg24: memref<!tpu.dma_semaphore, #tpu.memory_space<semaphore_mem>>, %arg25: memref<!tpu.dma_semaphore, #tpu.memory_space<semaphore_mem>>, %arg26: memref<!tpu.dma_semaphore, #tpu.memory_space<semaphore_mem>>, %arg27: memref<!tpu.dma_semaphore, #tpu.memory_space<semaphore_mem>>, %arg28: memref<!tpu.dma_semaphore, #tpu.memory_space<semaphore_mem>>, %arg29: memref<!tpu.dma_semaphore, #tpu.memory_space<semaphore_mem>>) attributes {dimension_semantics = [#tpu.dimension_semantics<core_parallel>, #tpu.dimension_semantics<subcore_parallel>], iteration_bounds = array<i64: 2, 16>, scalar_prefetch = 0 : i64, scratch_operands = 25 : i64, tpu.core_type = #tpu.core_type<sc_vector_subcore>, window_params = [{transform_indices = #map}, {transform_indices = #map1}, {transform_indices = #map}]} {
    %mul3A = arith.constant 2 : i32
    %mul3A_0 = arith.muli %arg1, %mul3A : i32
    %add3A = arith.addi %mul3A_0, %arg0 : i32
    %mul3A_1 = arith.constant 2048 : i32
    %mul3A_2 = arith.muli %add3A, %mul3A_1 : i32
    "tpu.region"() ({
      %run_scoped3A = tpu.sem_alloc : memref<!tpu.dma_semaphore, #tpu.memory_space<semaphore_mem>>
      %dma_start3A_213 = arith.constant 0 : i32
      %dma_start3A_214 = arith.constant 0 : i32
      %dma_start3A_215 = tpu.memref_slice %arg3[%add3A, %dma_start3A_213, %dma_start3A_214] : memref<32x128x16xi32, #tpu.memory_space<hbm>> -> memref<1x128x16xi32, #tpu.memory_space<hbm>>
      %dma_start3A_216 = tpu.memref_squeeze %dma_start3A_215 : memref<1x128x16xi32, #tpu.memory_space<hbm>> -> memref<128x16xi32, #tpu.memory_space<hbm>>
      %dma_start3A_217 = arith.constant 0 : i32
      %dma_start3A_218 = arith.constant 0 : i32
      %dma_start3A_219 = tpu.memref_slice %arg3[%add3A, %dma_start3A_217, %dma_start3A_218] : memref<32x128x16xi32, #tpu.memory_space<hbm>> -> memref<1x128x16xi32, #tpu.memory_space<hbm>>
      %dma_start3A_220 = tpu.memref_squeeze %dma_start3A_219 : memref<1x128x16xi32, #tpu.memory_space<hbm>> -> memref<128x16xi32, #tpu.memory_space<hbm>>
      tpu.enqueue_dma source(%dma_start3A_220 : memref<128x16xi32, #tpu.memory_space<hbm>>) target(%arg5 : memref<128x16xi32, #tpu.memory_space<vmem>>) target_semaphore(%run_scoped3A : memref<!tpu.dma_semaphore, #tpu.memory_space<semaphore_mem>>)
      %dma_wait3A_221 = arith.constant 0 : i32
      %dma_wait3A_222 = arith.constant 0 : i32
      %dma_wait3A_223 = tpu.memref_slice %arg3[%add3A, %dma_wait3A_221, %dma_wait3A_222] : memref<32x128x16xi32, #tpu.memory_space<hbm>> -> memref<1x128x16xi32, #tpu.memory_space<hbm>>
      %dma_wait3A_224 = tpu.memref_squeeze %dma_wait3A_223 : memref<1x128x16xi32, #tpu.memory_space<hbm>> -> memref<128x16xi32, #tpu.memory_space<hbm>>
      %dma_wait3A_225 = arith.constant 0 : i32
      %dma_wait3A_226 = arith.constant 0 : i32
      %dma_wait3A_227 = tpu.memref_slice %arg3[%add3A, %dma_wait3A_225, %dma_wait3A_226] : memref<32x128x16xi32, #tpu.memory_space<hbm>> -> memref<1x128x16xi32, #tpu.memory_space<hbm>>
      %dma_wait3A_228 = tpu.memref_squeeze %dma_wait3A_227 : memref<1x128x16xi32, #tpu.memory_space<hbm>> -> memref<128x16xi32, #tpu.memory_space<hbm>>
      tpu.wait_dma2 semaphore(%run_scoped3A : memref<!tpu.dma_semaphore, #tpu.memory_space<semaphore_mem>>) src(%dma_wait3A_228 : memref<128x16xi32, #tpu.memory_space<hbm>>) dst(%arg5 : memref<128x16xi32, #tpu.memory_space<vmem>>)
      tpu.yield
    }) : () -> ()
    %dma_start3A = arith.constant 0 : i32
    %dma_start3A_3 = arith.constant 0 : i32
    %dma_start3A_4 = tpu.memref_slice %arg5[%dma_start3A, %dma_start3A_3] : memref<128x16xi32, #tpu.memory_space<vmem>> -> memref<1x16xi32, #tpu.memory_space<vmem>>
    %dma_start3A_5 = tpu.memref_squeeze %dma_start3A_4 : memref<1x16xi32, #tpu.memory_space<vmem>> -> memref<16xi32, #tpu.memory_space<vmem>>
    %dma_start3A_6 = arith.constant 0 : i32
    %dma_start3A_7 = arith.constant 0 : i32
    %dma_start3A_8 = tpu.memref_slice %arg2[%dma_start3A_6, %dma_start3A_7] : memref<131072x768xf32, #tpu.memory_space<hbm>> -> memref<131072x768xf32, #tpu.memory_space<hbm>>
    tpu.enqueue_indirect_dma source(%dma_start3A_8 : memref<131072x768xf32, #tpu.memory_space<hbm>>) target(%arg6 : memref<16x768xf32, #tpu.memory_space<vmem>>) offsets(%dma_start3A_5 : memref<16xi32, #tpu.memory_space<vmem>>) semaphore(%arg14 : memref<!tpu.dma_semaphore, #tpu.memory_space<semaphore_mem>>)
    %dma_start3A_9 = arith.constant 1 : i32
    %dma_start3A_10 = arith.constant 0 : i32
    %dma_start3A_11 = tpu.memref_slice %arg5[%dma_start3A_9, %dma_start3A_10] : memref<128x16xi32, #tpu.memory_space<vmem>> -> memref<1x16xi32, #tpu.memory_space<vmem>>
    %dma_start3A_12 = tpu.memref_squeeze %dma_start3A_11 : memref<1x16xi32, #tpu.memory_space<vmem>> -> memref<16xi32, #tpu.memory_space<vmem>>
    %dma_start3A_13 = arith.constant 0 : i32
    %dma_start3A_14 = arith.constant 0 : i32
    %dma_start3A_15 = tpu.memref_slice %arg2[%dma_start3A_13, %dma_start3A_14] : memref<131072x768xf32, #tpu.memory_space<hbm>> -> memref<131072x768xf32, #tpu.memory_space<hbm>>
    tpu.enqueue_indirect_dma source(%dma_start3A_15 : memref<131072x768xf32, #tpu.memory_space<hbm>>) target(%arg7 : memref<16x768xf32, #tpu.memory_space<vmem>>) offsets(%dma_start3A_12 : memref<16xi32, #tpu.memory_space<vmem>>) semaphore(%arg15 : memref<!tpu.dma_semaphore, #tpu.memory_space<semaphore_mem>>)
    %dma_start3A_16 = arith.constant 2 : i32
    %dma_start3A_17 = arith.constant 0 : i32
    %dma_start3A_18 = tpu.memref_slice %arg5[%dma_start3A_16, %dma_start3A_17] : memref<128x16xi32, #tpu.memory_space<vmem>> -> memref<1x16xi32, #tpu.memory_space<vmem>>
    %dma_start3A_19 = tpu.memref_squeeze %dma_start3A_18 : memref<1x16xi32, #tpu.memory_space<vmem>> -> memref<16xi32, #tpu.memory_space<vmem>>
    %dma_start3A_20 = arith.constant 0 : i32
    %dma_start3A_21 = arith.constant 0 : i32
    %dma_start3A_22 = tpu.memref_slice %arg2[%dma_start3A_20, %dma_start3A_21] : memref<131072x768xf32, #tpu.memory_space<hbm>> -> memref<131072x768xf32, #tpu.memory_space<hbm>>
    tpu.enqueue_indirect_dma source(%dma_start3A_22 : memref<131072x768xf32, #tpu.memory_space<hbm>>) target(%arg8 : memref<16x768xf32, #tpu.memory_space<vmem>>) offsets(%dma_start3A_19 : memref<16xi32, #tpu.memory_space<vmem>>) semaphore(%arg16 : memref<!tpu.dma_semaphore, #tpu.memory_space<semaphore_mem>>)
    %dma_start3A_23 = arith.constant 3 : i32
    %dma_start3A_24 = arith.constant 0 : i32
    %dma_start3A_25 = tpu.memref_slice %arg5[%dma_start3A_23, %dma_start3A_24] : memref<128x16xi32, #tpu.memory_space<vmem>> -> memref<1x16xi32, #tpu.memory_space<vmem>>
    %dma_start3A_26 = tpu.memref_squeeze %dma_start3A_25 : memref<1x16xi32, #tpu.memory_space<vmem>> -> memref<16xi32, #tpu.memory_space<vmem>>
    %dma_start3A_27 = arith.constant 0 : i32
    %dma_start3A_28 = arith.constant 0 : i32
    %dma_start3A_29 = tpu.memref_slice %arg2[%dma_start3A_27, %dma_start3A_28] : memref<131072x768xf32, #tpu.memory_space<hbm>> -> memref<131072x768xf32, #tpu.memory_space<hbm>>
    tpu.enqueue_indirect_dma source(%dma_start3A_29 : memref<131072x768xf32, #tpu.memory_space<hbm>>) target(%arg9 : memref<16x768xf32, #tpu.memory_space<vmem>>) offsets(%dma_start3A_26 : memref<16xi32, #tpu.memory_space<vmem>>) semaphore(%arg17 : memref<!tpu.dma_semaphore, #tpu.memory_space<semaphore_mem>>)
    %dma_wait3A = arith.constant 0 : i32
    %dma_wait3A_30 = arith.constant 0 : i32
    %dma_wait3A_31 = tpu.memref_slice %arg5[%dma_wait3A, %dma_wait3A_30] : memref<128x16xi32, #tpu.memory_space<vmem>> -> memref<1x16xi32, #tpu.memory_space<vmem>>
    %dma_wait3A_32 = tpu.memref_squeeze %dma_wait3A_31 : memref<1x16xi32, #tpu.memory_space<vmem>> -> memref<16xi32, #tpu.memory_space<vmem>>
    %dma_wait3A_33 = arith.constant 0 : i32
    %dma_wait3A_34 = arith.constant 0 : i32
    %dma_wait3A_35 = tpu.memref_slice %arg2[%dma_wait3A_33, %dma_wait3A_34] : memref<131072x768xf32, #tpu.memory_space<hbm>> -> memref<131072x768xf32, #tpu.memory_space<hbm>>
    tpu.wait_indirect_dma semaphore(%arg14 : memref<!tpu.dma_semaphore, #tpu.memory_space<semaphore_mem>>) src(%dma_wait3A_35 : memref<131072x768xf32, #tpu.memory_space<hbm>>) dst(%arg6 : memref<16x768xf32, #tpu.memory_space<vmem>>)
    %add3A_36 = arith.constant 0 : i32
    %add3A_37 = arith.addi %mul3A_2, %add3A_36 : i32
    %dma_start3A_38 = arith.constant 0 : i32
    %dma_start3A_39 = tpu.memref_slice %arg4[%add3A_37, %dma_start3A_38] : memref<65536x768xf32, #tpu.memory_space<hbm>> -> memref<16x768xf32, #tpu.memory_space<hbm>>
    %dma_start3A_40 = arith.constant 0 : i32
    %dma_start3A_41 = tpu.memref_slice %arg4[%add3A_37, %dma_start3A_40] : memref<65536x768xf32, #tpu.memory_space<hbm>> -> memref<16x768xf32, #tpu.memory_space<hbm>>
    tpu.enqueue_dma source(%arg6 : memref<16x768xf32, #tpu.memory_space<vmem>>) target(%dma_start3A_41 : memref<16x768xf32, #tpu.memory_space<hbm>>) target_semaphore(%arg22 : memref<!tpu.dma_semaphore, #tpu.memory_space<semaphore_mem>>)
    %dma_start3A_42 = arith.constant 4 : i32
    %dma_start3A_43 = arith.constant 0 : i32
    %dma_start3A_44 = tpu.memref_slice %arg5[%dma_start3A_42, %dma_start3A_43] : memref<128x16xi32, #tpu.memory_space<vmem>> -> memref<1x16xi32, #tpu.memory_space<vmem>>
    %dma_start3A_45 = tpu.memref_squeeze %dma_start3A_44 : memref<1x16xi32, #tpu.memory_space<vmem>> -> memref<16xi32, #tpu.memory_space<vmem>>
    %dma_start3A_46 = arith.constant 0 : i32
    %dma_start3A_47 = arith.constant 0 : i32
    %dma_start3A_48 = tpu.memref_slice %arg2[%dma_start3A_46, %dma_start3A_47] : memref<131072x768xf32, #tpu.memory_space<hbm>> -> memref<131072x768xf32, #tpu.memory_space<hbm>>
    tpu.enqueue_indirect_dma source(%dma_start3A_48 : memref<131072x768xf32, #tpu.memory_space<hbm>>) target(%arg10 : memref<16x768xf32, #tpu.memory_space<vmem>>) offsets(%dma_start3A_45 : memref<16xi32, #tpu.memory_space<vmem>>) semaphore(%arg18 : memref<!tpu.dma_semaphore, #tpu.memory_space<semaphore_mem>>)
    %dma_wait3A_49 = arith.constant 1 : i32
    %dma_wait3A_50 = arith.constant 0 : i32
    %dma_wait3A_51 = tpu.memref_slice %arg5[%dma_wait3A_49, %dma_wait3A_50] : memref<128x16xi32, #tpu.memory_space<vmem>> -> memref<1x16xi32, #tpu.memory_space<vmem>>
    %dma_wait3A_52 = tpu.memref_squeeze %dma_wait3A_51 : memref<1x16xi32, #tpu.memory_space<vmem>> -> memref<16xi32, #tpu.memory_space<vmem>>
    %dma_wait3A_53 = arith.constant 0 : i32
    %dma_wait3A_54 = arith.constant 0 : i32
    %dma_wait3A_55 = tpu.memref_slice %arg2[%dma_wait3A_53, %dma_wait3A_54] : memref<131072x768xf32, #tpu.memory_space<hbm>> -> memref<131072x768xf32, #tpu.memory_space<hbm>>
    tpu.wait_indirect_dma semaphore(%arg15 : memref<!tpu.dma_semaphore, #tpu.memory_space<semaphore_mem>>) src(%dma_wait3A_55 : memref<131072x768xf32, #tpu.memory_space<hbm>>) dst(%arg7 : memref<16x768xf32, #tpu.memory_space<vmem>>)
    %add3A_56 = arith.constant 16 : i32
    %add3A_57 = arith.addi %mul3A_2, %add3A_56 : i32
    %dma_start3A_58 = arith.constant 0 : i32
    %dma_start3A_59 = tpu.memref_slice %arg4[%add3A_57, %dma_start3A_58] : memref<65536x768xf32, #tpu.memory_space<hbm>> -> memref<16x768xf32, #tpu.memory_space<hbm>>
    %dma_start3A_60 = arith.constant 0 : i32
    %dma_start3A_61 = tpu.memref_slice %arg4[%add3A_57, %dma_start3A_60] : memref<65536x768xf32, #tpu.memory_space<hbm>> -> memref<16x768xf32, #tpu.memory_space<hbm>>
    tpu.enqueue_dma source(%arg7 : memref<16x768xf32, #tpu.memory_space<vmem>>) target(%dma_start3A_61 : memref<16x768xf32, #tpu.memory_space<hbm>>) target_semaphore(%arg23 : memref<!tpu.dma_semaphore, #tpu.memory_space<semaphore_mem>>)
    %dma_start3A_62 = arith.constant 5 : i32
    %dma_start3A_63 = arith.constant 0 : i32
    %dma_start3A_64 = tpu.memref_slice %arg5[%dma_start3A_62, %dma_start3A_63] : memref<128x16xi32, #tpu.memory_space<vmem>> -> memref<1x16xi32, #tpu.memory_space<vmem>>
    %dma_start3A_65 = tpu.memref_squeeze %dma_start3A_64 : memref<1x16xi32, #tpu.memory_space<vmem>> -> memref<16xi32, #tpu.memory_space<vmem>>
    %dma_start3A_66 = arith.constant 0 : i32
    %dma_start3A_67 = arith.constant 0 : i32
    %dma_start3A_68 = tpu.memref_slice %arg2[%dma_start3A_66, %dma_start3A_67] : memref<131072x768xf32, #tpu.memory_space<hbm>> -> memref<131072x768xf32, #tpu.memory_space<hbm>>
    tpu.enqueue_indirect_dma source(%dma_start3A_68 : memref<131072x768xf32, #tpu.memory_space<hbm>>) target(%arg11 : memref<16x768xf32, #tpu.memory_space<vmem>>) offsets(%dma_start3A_65 : memref<16xi32, #tpu.memory_space<vmem>>) semaphore(%arg19 : memref<!tpu.dma_semaphore, #tpu.memory_space<semaphore_mem>>)
    %dma_wait3A_69 = arith.constant 2 : i32
    %dma_wait3A_70 = arith.constant 0 : i32
    %dma_wait3A_71 = tpu.memref_slice %arg5[%dma_wait3A_69, %dma_wait3A_70] : memref<128x16xi32, #tpu.memory_space<vmem>> -> memref<1x16xi32, #tpu.memory_space<vmem>>
    %dma_wait3A_72 = tpu.memref_squeeze %dma_wait3A_71 : memref<1x16xi32, #tpu.memory_space<vmem>> -> memref<16xi32, #tpu.memory_space<vmem>>
    %dma_wait3A_73 = arith.constant 0 : i32
    %dma_wait3A_74 = arith.constant 0 : i32
    %dma_wait3A_75 = tpu.memref_slice %arg2[%dma_wait3A_73, %dma_wait3A_74] : memref<131072x768xf32, #tpu.memory_space<hbm>> -> memref<131072x768xf32, #tpu.memory_space<hbm>>
    tpu.wait_indirect_dma semaphore(%arg16 : memref<!tpu.dma_semaphore, #tpu.memory_space<semaphore_mem>>) src(%dma_wait3A_75 : memref<131072x768xf32, #tpu.memory_space<hbm>>) dst(%arg8 : memref<16x768xf32, #tpu.memory_space<vmem>>)
    %add3A_76 = arith.constant 32 : i32
    %add3A_77 = arith.addi %mul3A_2, %add3A_76 : i32
    %dma_start3A_78 = arith.constant 0 : i32
    %dma_start3A_79 = tpu.memref_slice %arg4[%add3A_77, %dma_start3A_78] : memref<65536x768xf32, #tpu.memory_space<hbm>> -> memref<16x768xf32, #tpu.memory_space<hbm>>
    %dma_start3A_80 = arith.constant 0 : i32
    %dma_start3A_81 = tpu.memref_slice %arg4[%add3A_77, %dma_start3A_80] : memref<65536x768xf32, #tpu.memory_space<hbm>> -> memref<16x768xf32, #tpu.memory_space<hbm>>
    tpu.enqueue_dma source(%arg8 : memref<16x768xf32, #tpu.memory_space<vmem>>) target(%dma_start3A_81 : memref<16x768xf32, #tpu.memory_space<hbm>>) target_semaphore(%arg24 : memref<!tpu.dma_semaphore, #tpu.memory_space<semaphore_mem>>)
    %dma_start3A_82 = arith.constant 6 : i32
    %dma_start3A_83 = arith.constant 0 : i32
    %dma_start3A_84 = tpu.memref_slice %arg5[%dma_start3A_82, %dma_start3A_83] : memref<128x16xi32, #tpu.memory_space<vmem>> -> memref<1x16xi32, #tpu.memory_space<vmem>>
    %dma_start3A_85 = tpu.memref_squeeze %dma_start3A_84 : memref<1x16xi32, #tpu.memory_space<vmem>> -> memref<16xi32, #tpu.memory_space<vmem>>
    %dma_start3A_86 = arith.constant 0 : i32
    %dma_start3A_87 = arith.constant 0 : i32
    %dma_start3A_88 = tpu.memref_slice %arg2[%dma_start3A_86, %dma_start3A_87] : memref<131072x768xf32, #tpu.memory_space<hbm>> -> memref<131072x768xf32, #tpu.memory_space<hbm>>
    tpu.enqueue_indirect_dma source(%dma_start3A_88 : memref<131072x768xf32, #tpu.memory_space<hbm>>) target(%arg12 : memref<16x768xf32, #tpu.memory_space<vmem>>) offsets(%dma_start3A_85 : memref<16xi32, #tpu.memory_space<vmem>>) semaphore(%arg20 : memref<!tpu.dma_semaphore, #tpu.memory_space<semaphore_mem>>)
    %dma_wait3A_89 = arith.constant 3 : i32
    %dma_wait3A_90 = arith.constant 0 : i32
    %dma_wait3A_91 = tpu.memref_slice %arg5[%dma_wait3A_89, %dma_wait3A_90] : memref<128x16xi32, #tpu.memory_space<vmem>> -> memref<1x16xi32, #tpu.memory_space<vmem>>
    %dma_wait3A_92 = tpu.memref_squeeze %dma_wait3A_91 : memref<1x16xi32, #tpu.memory_space<vmem>> -> memref<16xi32, #tpu.memory_space<vmem>>
    %dma_wait3A_93 = arith.constant 0 : i32
    %dma_wait3A_94 = arith.constant 0 : i32
    %dma_wait3A_95 = tpu.memref_slice %arg2[%dma_wait3A_93, %dma_wait3A_94] : memref<131072x768xf32, #tpu.memory_space<hbm>> -> memref<131072x768xf32, #tpu.memory_space<hbm>>
    tpu.wait_indirect_dma semaphore(%arg17 : memref<!tpu.dma_semaphore, #tpu.memory_space<semaphore_mem>>) src(%dma_wait3A_95 : memref<131072x768xf32, #tpu.memory_space<hbm>>) dst(%arg9 : memref<16x768xf32, #tpu.memory_space<vmem>>)
    %add3A_96 = arith.constant 48 : i32
    %add3A_97 = arith.addi %mul3A_2, %add3A_96 : i32
    %dma_start3A_98 = arith.constant 0 : i32
    %dma_start3A_99 = tpu.memref_slice %arg4[%add3A_97, %dma_start3A_98] : memref<65536x768xf32, #tpu.memory_space<hbm>> -> memref<16x768xf32, #tpu.memory_space<hbm>>
    %dma_start3A_100 = arith.constant 0 : i32
    %dma_start3A_101 = tpu.memref_slice %arg4[%add3A_97, %dma_start3A_100] : memref<65536x768xf32, #tpu.memory_space<hbm>> -> memref<16x768xf32, #tpu.memory_space<hbm>>
    tpu.enqueue_dma source(%arg9 : memref<16x768xf32, #tpu.memory_space<vmem>>) target(%dma_start3A_101 : memref<16x768xf32, #tpu.memory_space<hbm>>) target_semaphore(%arg25 : memref<!tpu.dma_semaphore, #tpu.memory_space<semaphore_mem>>)
    %dma_start3A_102 = arith.constant 7 : i32
    %dma_start3A_103 = arith.constant 0 : i32
    %dma_start3A_104 = tpu.memref_slice %arg5[%dma_start3A_102, %dma_start3A_103] : memref<128x16xi32, #tpu.memory_space<vmem>> -> memref<1x16xi32, #tpu.memory_space<vmem>>
    %dma_start3A_105 = tpu.memref_squeeze %dma_start3A_104 : memref<1x16xi32, #tpu.memory_space<vmem>> -> memref<16xi32, #tpu.memory_space<vmem>>
    %dma_start3A_106 = arith.constant 0 : i32
    %dma_start3A_107 = arith.constant 0 : i32
    %dma_start3A_108 = tpu.memref_slice %arg2[%dma_start3A_106, %dma_start3A_107] : memref<131072x768xf32, #tpu.memory_space<hbm>> -> memref<131072x768xf32, #tpu.memory_space<hbm>>
    tpu.enqueue_indirect_dma source(%dma_start3A_108 : memref<131072x768xf32, #tpu.memory_space<hbm>>) target(%arg13 : memref<16x768xf32, #tpu.memory_space<vmem>>) offsets(%dma_start3A_105 : memref<16xi32, #tpu.memory_space<vmem>>) semaphore(%arg21 : memref<!tpu.dma_semaphore, #tpu.memory_space<semaphore_mem>>)
    %scan3A = arith.constant 0 : i32
    %scan3A_109 = arith.constant 15 : i32
    %scan3A_110 = arith.addi %scan3A, %scan3A_109 : i32
    %scan3A_111 = arith.constant 1 : i32
    scf.for %scan3A_213 = %scan3A to %scan3A_110 step %scan3A_111  : i32 {
      %mul3A_214 = arith.constant 8 : i32
      %mul3A_215 = arith.muli %scan3A_213, %mul3A_214 : i32
      %add3A_216 = arith.constant 4 : i32
      %add3A_217 = arith.addi %add3A_216, %mul3A_215 : i32
      %add3A_218 = arith.constant 0 : i32
      %add3A_219 = arith.addi %add3A_217, %add3A_218 : i32
      %dma_wait3A_220 = arith.constant 0 : i32
      %dma_wait3A_221 = tpu.memref_slice %arg5[%add3A_219, %dma_wait3A_220] : memref<128x16xi32, #tpu.memory_space<vmem>> -> memref<1x16xi32, #tpu.memory_space<vmem>>
      %dma_wait3A_222 = tpu.memref_squeeze %dma_wait3A_221 : memref<1x16xi32, #tpu.memory_space<vmem>> -> memref<16xi32, #tpu.memory_space<vmem>>
      %dma_wait3A_223 = arith.constant 0 : i32
      %dma_wait3A_224 = arith.constant 0 : i32
      %dma_wait3A_225 = tpu.memref_slice %arg2[%dma_wait3A_223, %dma_wait3A_224] : memref<131072x768xf32, #tpu.memory_space<hbm>> -> memref<131072x768xf32, #tpu.memory_space<hbm>>
      tpu.wait_indirect_dma semaphore(%arg18 : memref<!tpu.dma_semaphore, #tpu.memory_space<semaphore_mem>>) src(%dma_wait3A_225 : memref<131072x768xf32, #tpu.memory_space<hbm>>) dst(%arg10 : memref<16x768xf32, #tpu.memory_space<vmem>>)
      %mul3A_226 = arith.constant 16 : i32
      %mul3A_227 = arith.muli %add3A_219, %mul3A_226 : i32
      %add3A_228 = arith.addi %mul3A_2, %mul3A_227 : i32
      %dma_start3A_229 = arith.constant 0 : i32
      %dma_start3A_230 = tpu.memref_slice %arg4[%add3A_228, %dma_start3A_229] : memref<65536x768xf32, #tpu.memory_space<hbm>> -> memref<16x768xf32, #tpu.memory_space<hbm>>
      %dma_start3A_231 = arith.constant 0 : i32
      %dma_start3A_232 = tpu.memref_slice %arg4[%add3A_228, %dma_start3A_231] : memref<65536x768xf32, #tpu.memory_space<hbm>> -> memref<16x768xf32, #tpu.memory_space<hbm>>
      tpu.enqueue_dma source(%arg10 : memref<16x768xf32, #tpu.memory_space<vmem>>) target(%dma_start3A_232 : memref<16x768xf32, #tpu.memory_space<hbm>>) target_semaphore(%arg26 : memref<!tpu.dma_semaphore, #tpu.memory_space<semaphore_mem>>)
      %sub3A = arith.constant 4 : i32
      %sub3A_233 = arith.subi %add3A_219, %sub3A : i32
      %mul3A_234 = arith.constant 16 : i32
      %mul3A_235 = arith.muli %sub3A_233, %mul3A_234 : i32
      %add3A_236 = arith.addi %mul3A_2, %mul3A_235 : i32
      %dma_wait3A_237 = arith.constant 0 : i32
      %dma_wait3A_238 = tpu.memref_slice %arg4[%add3A_236, %dma_wait3A_237] : memref<65536x768xf32, #tpu.memory_space<hbm>> -> memref<16x768xf32, #tpu.memory_space<hbm>>
      %dma_wait3A_239 = arith.constant 0 : i32
      %dma_wait3A_240 = tpu.memref_slice %arg4[%add3A_236, %dma_wait3A_239] : memref<65536x768xf32, #tpu.memory_space<hbm>> -> memref<16x768xf32, #tpu.memory_space<hbm>>
      tpu.wait_dma2 semaphore(%arg22 : memref<!tpu.dma_semaphore, #tpu.memory_space<semaphore_mem>>) src(%arg6 : memref<16x768xf32, #tpu.memory_space<vmem>>) dst(%dma_wait3A_240 : memref<16x768xf32, #tpu.memory_space<hbm>>)
      %add3A_241 = arith.constant 4 : i32
      %add3A_242 = arith.addi %add3A_219, %add3A_241 : i32
      %dma_start3A_243 = arith.constant 0 : i32
      %dma_start3A_244 = tpu.memref_slice %arg5[%add3A_242, %dma_start3A_243] : memref<128x16xi32, #tpu.memory_space<vmem>> -> memref<1x16xi32, #tpu.memory_space<vmem>>
      %dma_start3A_245 = tpu.memref_squeeze %dma_start3A_244 : memref<1x16xi32, #tpu.memory_space<vmem>> -> memref<16xi32, #tpu.memory_space<vmem>>
      %dma_start3A_246 = arith.constant 0 : i32
      %dma_start3A_247 = arith.constant 0 : i32
      %dma_start3A_248 = tpu.memref_slice %arg2[%dma_start3A_246, %dma_start3A_247] : memref<131072x768xf32, #tpu.memory_space<hbm>> -> memref<131072x768xf32, #tpu.memory_space<hbm>>
      tpu.enqueue_indirect_dma source(%dma_start3A_248 : memref<131072x768xf32, #tpu.memory_space<hbm>>) target(%arg6 : memref<16x768xf32, #tpu.memory_space<vmem>>) offsets(%dma_start3A_245 : memref<16xi32, #tpu.memory_space<vmem>>) semaphore(%arg14 : memref<!tpu.dma_semaphore, #tpu.memory_space<semaphore_mem>>)
      %add3A_249 = arith.constant 1 : i32
      %add3A_250 = arith.addi %add3A_217, %add3A_249 : i32
      %dma_wait3A_251 = arith.constant 0 : i32
      %dma_wait3A_252 = tpu.memref_slice %arg5[%add3A_250, %dma_wait3A_251] : memref<128x16xi32, #tpu.memory_space<vmem>> -> memref<1x16xi32, #tpu.memory_space<vmem>>
      %dma_wait3A_253 = tpu.memref_squeeze %dma_wait3A_252 : memref<1x16xi32, #tpu.memory_space<vmem>> -> memref<16xi32, #tpu.memory_space<vmem>>
      %dma_wait3A_254 = arith.constant 0 : i32
      %dma_wait3A_255 = arith.constant 0 : i32
      %dma_wait3A_256 = tpu.memref_slice %arg2[%dma_wait3A_254, %dma_wait3A_255] : memref<131072x768xf32, #tpu.memory_space<hbm>> -> memref<131072x768xf32, #tpu.memory_space<hbm>>
      tpu.wait_indirect_dma semaphore(%arg19 : memref<!tpu.dma_semaphore, #tpu.memory_space<semaphore_mem>>) src(%dma_wait3A_256 : memref<131072x768xf32, #tpu.memory_space<hbm>>) dst(%arg11 : memref<16x768xf32, #tpu.memory_space<vmem>>)
      %mul3A_257 = arith.constant 16 : i32
      %mul3A_258 = arith.muli %add3A_250, %mul3A_257 : i32
      %add3A_259 = arith.addi %mul3A_2, %mul3A_258 : i32
      %dma_start3A_260 = arith.constant 0 : i32
      %dma_start3A_261 = tpu.memref_slice %arg4[%add3A_259, %dma_start3A_260] : memref<65536x768xf32, #tpu.memory_space<hbm>> -> memref<16x768xf32, #tpu.memory_space<hbm>>
      %dma_start3A_262 = arith.constant 0 : i32
      %dma_start3A_263 = tpu.memref_slice %arg4[%add3A_259, %dma_start3A_262] : memref<65536x768xf32, #tpu.memory_space<hbm>> -> memref<16x768xf32, #tpu.memory_space<hbm>>
      tpu.enqueue_dma source(%arg11 : memref<16x768xf32, #tpu.memory_space<vmem>>) target(%dma_start3A_263 : memref<16x768xf32, #tpu.memory_space<hbm>>) target_semaphore(%arg27 : memref<!tpu.dma_semaphore, #tpu.memory_space<semaphore_mem>>)
      %sub3A_264 = arith.constant 4 : i32
      %sub3A_265 = arith.subi %add3A_250, %sub3A_264 : i32
      %mul3A_266 = arith.constant 16 : i32
      %mul3A_267 = arith.muli %sub3A_265, %mul3A_266 : i32
      %add3A_268 = arith.addi %mul3A_2, %mul3A_267 : i32
      %dma_wait3A_269 = arith.constant 0 : i32
      %dma_wait3A_270 = tpu.memref_slice %arg4[%add3A_268, %dma_wait3A_269] : memref<65536x768xf32, #tpu.memory_space<hbm>> -> memref<16x768xf32, #tpu.memory_space<hbm>>
      %dma_wait3A_271 = arith.constant 0 : i32
      %dma_wait3A_272 = tpu.memref_slice %arg4[%add3A_268, %dma_wait3A_271] : memref<65536x768xf32, #tpu.memory_space<hbm>> -> memref<16x768xf32, #tpu.memory_space<hbm>>
      tpu.wait_dma2 semaphore(%arg23 : memref<!tpu.dma_semaphore, #tpu.memory_space<semaphore_mem>>) src(%arg7 : memref<16x768xf32, #tpu.memory_space<vmem>>) dst(%dma_wait3A_272 : memref<16x768xf32, #tpu.memory_space<hbm>>)
      %add3A_273 = arith.constant 4 : i32
      %add3A_274 = arith.addi %add3A_250, %add3A_273 : i32
      %dma_start3A_275 = arith.constant 0 : i32
      %dma_start3A_276 = tpu.memref_slice %arg5[%add3A_274, %dma_start3A_275] : memref<128x16xi32, #tpu.memory_space<vmem>> -> memref<1x16xi32, #tpu.memory_space<vmem>>
      %dma_start3A_277 = tpu.memref_squeeze %dma_start3A_276 : memref<1x16xi32, #tpu.memory_space<vmem>> -> memref<16xi32, #tpu.memory_space<vmem>>
      %dma_start3A_278 = arith.constant 0 : i32
      %dma_start3A_279 = arith.constant 0 : i32
      %dma_start3A_280 = tpu.memref_slice %arg2[%dma_start3A_278, %dma_start3A_279] : memref<131072x768xf32, #tpu.memory_space<hbm>> -> memref<131072x768xf32, #tpu.memory_space<hbm>>
      tpu.enqueue_indirect_dma source(%dma_start3A_280 : memref<131072x768xf32, #tpu.memory_space<hbm>>) target(%arg7 : memref<16x768xf32, #tpu.memory_space<vmem>>) offsets(%dma_start3A_277 : memref<16xi32, #tpu.memory_space<vmem>>) semaphore(%arg15 : memref<!tpu.dma_semaphore, #tpu.memory_space<semaphore_mem>>)
      %add3A_281 = arith.constant 2 : i32
      %add3A_282 = arith.addi %add3A_217, %add3A_281 : i32
      %dma_wait3A_283 = arith.constant 0 : i32
      %dma_wait3A_284 = tpu.memref_slice %arg5[%add3A_282, %dma_wait3A_283] : memref<128x16xi32, #tpu.memory_space<vmem>> -> memref<1x16xi32, #tpu.memory_space<vmem>>
      %dma_wait3A_285 = tpu.memref_squeeze %dma_wait3A_284 : memref<1x16xi32, #tpu.memory_space<vmem>> -> memref<16xi32, #tpu.memory_space<vmem>>
      %dma_wait3A_286 = arith.constant 0 : i32
      %dma_wait3A_287 = arith.constant 0 : i32
      %dma_wait3A_288 = tpu.memref_slice %arg2[%dma_wait3A_286, %dma_wait3A_287] : memref<131072x768xf32, #tpu.memory_space<hbm>> -> memref<131072x768xf32, #tpu.memory_space<hbm>>
      tpu.wait_indirect_dma semaphore(%arg20 : memref<!tpu.dma_semaphore, #tpu.memory_space<semaphore_mem>>) src(%dma_wait3A_288 : memref<131072x768xf32, #tpu.memory_space<hbm>>) dst(%arg12 : memref<16x768xf32, #tpu.memory_space<vmem>>)
      %mul3A_289 = arith.constant 16 : i32
      %mul3A_290 = arith.muli %add3A_282, %mul3A_289 : i32
      %add3A_291 = arith.addi %mul3A_2, %mul3A_290 : i32
      %dma_start3A_292 = arith.constant 0 : i32
      %dma_start3A_293 = tpu.memref_slice %arg4[%add3A_291, %dma_start3A_292] : memref<65536x768xf32, #tpu.memory_space<hbm>> -> memref<16x768xf32, #tpu.memory_space<hbm>>
      %dma_start3A_294 = arith.constant 0 : i32
      %dma_start3A_295 = tpu.memref_slice %arg4[%add3A_291, %dma_start3A_294] : memref<65536x768xf32, #tpu.memory_space<hbm>> -> memref<16x768xf32, #tpu.memory_space<hbm>>
      tpu.enqueue_dma source(%arg12 : memref<16x768xf32, #tpu.memory_space<vmem>>) target(%dma_start3A_295 : memref<16x768xf32, #tpu.memory_space<hbm>>) target_semaphore(%arg28 : memref<!tpu.dma_semaphore, #tpu.memory_space<semaphore_mem>>)
      %sub3A_296 = arith.constant 4 : i32
      %sub3A_297 = arith.subi %add3A_282, %sub3A_296 : i32
      %mul3A_298 = arith.constant 16 : i32
      %mul3A_299 = arith.muli %sub3A_297, %mul3A_298 : i32
      %add3A_300 = arith.addi %mul3A_2, %mul3A_299 : i32
      %dma_wait3A_301 = arith.constant 0 : i32
      %dma_wait3A_302 = tpu.memref_slice %arg4[%add3A_300, %dma_wait3A_301] : memref<65536x768xf32, #tpu.memory_space<hbm>> -> memref<16x768xf32, #tpu.memory_space<hbm>>
      %dma_wait3A_303 = arith.constant 0 : i32
      %dma_wait3A_304 = tpu.memref_slice %arg4[%add3A_300, %dma_wait3A_303] : memref<65536x768xf32, #tpu.memory_space<hbm>> -> memref<16x768xf32, #tpu.memory_space<hbm>>
      tpu.wait_dma2 semaphore(%arg24 : memref<!tpu.dma_semaphore, #tpu.memory_space<semaphore_mem>>) src(%arg8 : memref<16x768xf32, #tpu.memory_space<vmem>>) dst(%dma_wait3A_304 : memref<16x768xf32, #tpu.memory_space<hbm>>)
      %add3A_305 = arith.constant 4 : i32
      %add3A_306 = arith.addi %add3A_282, %add3A_305 : i32
      %dma_start3A_307 = arith.constant 0 : i32
      %dma_start3A_308 = tpu.memref_slice %arg5[%add3A_306, %dma_start3A_307] : memref<128x16xi32, #tpu.memory_space<vmem>> -> memref<1x16xi32, #tpu.memory_space<vmem>>
      %dma_start3A_309 = tpu.memref_squeeze %dma_start3A_308 : memref<1x16xi32, #tpu.memory_space<vmem>> -> memref<16xi32, #tpu.memory_space<vmem>>
      %dma_start3A_310 = arith.constant 0 : i32
      %dma_start3A_311 = arith.constant 0 : i32
      %dma_start3A_312 = tpu.memref_slice %arg2[%dma_start3A_310, %dma_start3A_311] : memref<131072x768xf32, #tpu.memory_space<hbm>> -> memref<131072x768xf32, #tpu.memory_space<hbm>>
      tpu.enqueue_indirect_dma source(%dma_start3A_312 : memref<131072x768xf32, #tpu.memory_space<hbm>>) target(%arg8 : memref<16x768xf32, #tpu.memory_space<vmem>>) offsets(%dma_start3A_309 : memref<16xi32, #tpu.memory_space<vmem>>) semaphore(%arg16 : memref<!tpu.dma_semaphore, #tpu.memory_space<semaphore_mem>>)
      %add3A_313 = arith.constant 3 : i32
      %add3A_314 = arith.addi %add3A_217, %add3A_313 : i32
      %dma_wait3A_315 = arith.constant 0 : i32
      %dma_wait3A_316 = tpu.memref_slice %arg5[%add3A_314, %dma_wait3A_315] : memref<128x16xi32, #tpu.memory_space<vmem>> -> memref<1x16xi32, #tpu.memory_space<vmem>>
      %dma_wait3A_317 = tpu.memref_squeeze %dma_wait3A_316 : memref<1x16xi32, #tpu.memory_space<vmem>> -> memref<16xi32, #tpu.memory_space<vmem>>
      %dma_wait3A_318 = arith.constant 0 : i32
      %dma_wait3A_319 = arith.constant 0 : i32
      %dma_wait3A_320 = tpu.memref_slice %arg2[%dma_wait3A_318, %dma_wait3A_319] : memref<131072x768xf32, #tpu.memory_space<hbm>> -> memref<131072x768xf32, #tpu.memory_space<hbm>>
      tpu.wait_indirect_dma semaphore(%arg21 : memref<!tpu.dma_semaphore, #tpu.memory_space<semaphore_mem>>) src(%dma_wait3A_320 : memref<131072x768xf32, #tpu.memory_space<hbm>>) dst(%arg13 : memref<16x768xf32, #tpu.memory_space<vmem>>)
      %mul3A_321 = arith.constant 16 : i32
      %mul3A_322 = arith.muli %add3A_314, %mul3A_321 : i32
      %add3A_323 = arith.addi %mul3A_2, %mul3A_322 : i32
      %dma_start3A_324 = arith.constant 0 : i32
      %dma_start3A_325 = tpu.memref_slice %arg4[%add3A_323, %dma_start3A_324] : memref<65536x768xf32, #tpu.memory_space<hbm>> -> memref<16x768xf32, #tpu.memory_space<hbm>>
      %dma_start3A_326 = arith.constant 0 : i32
      %dma_start3A_327 = tpu.memref_slice %arg4[%add3A_323, %dma_start3A_326] : memref<65536x768xf32, #tpu.memory_space<hbm>> -> memref<16x768xf32, #tpu.memory_space<hbm>>
      tpu.enqueue_dma source(%arg13 : memref<16x768xf32, #tpu.memory_space<vmem>>) target(%dma_start3A_327 : memref<16x768xf32, #tpu.memory_space<hbm>>) target_semaphore(%arg29 : memref<!tpu.dma_semaphore, #tpu.memory_space<semaphore_mem>>)
      %sub3A_328 = arith.constant 4 : i32
      %sub3A_329 = arith.subi %add3A_314, %sub3A_328 : i32
      %mul3A_330 = arith.constant 16 : i32
      %mul3A_331 = arith.muli %sub3A_329, %mul3A_330 : i32
      %add3A_332 = arith.addi %mul3A_2, %mul3A_331 : i32
      %dma_wait3A_333 = arith.constant 0 : i32
      %dma_wait3A_334 = tpu.memref_slice %arg4[%add3A_332, %dma_wait3A_333] : memref<65536x768xf32, #tpu.memory_space<hbm>> -> memref<16x768xf32, #tpu.memory_space<hbm>>
      %dma_wait3A_335 = arith.constant 0 : i32
      %dma_wait3A_336 = tpu.memref_slice %arg4[%add3A_332, %dma_wait3A_335] : memref<65536x768xf32, #tpu.memory_space<hbm>> -> memref<16x768xf32, #tpu.memory_space<hbm>>
      tpu.wait_dma2 semaphore(%arg25 : memref<!tpu.dma_semaphore, #tpu.memory_space<semaphore_mem>>) src(%arg9 : memref<16x768xf32, #tpu.memory_space<vmem>>) dst(%dma_wait3A_336 : memref<16x768xf32, #tpu.memory_space<hbm>>)
      %add3A_337 = arith.constant 4 : i32
      %add3A_338 = arith.addi %add3A_314, %add3A_337 : i32
      %dma_start3A_339 = arith.constant 0 : i32
      %dma_start3A_340 = tpu.memref_slice %arg5[%add3A_338, %dma_start3A_339] : memref<128x16xi32, #tpu.memory_space<vmem>> -> memref<1x16xi32, #tpu.memory_space<vmem>>
      %dma_start3A_341 = tpu.memref_squeeze %dma_start3A_340 : memref<1x16xi32, #tpu.memory_space<vmem>> -> memref<16xi32, #tpu.memory_space<vmem>>
      %dma_start3A_342 = arith.constant 0 : i32
      %dma_start3A_343 = arith.constant 0 : i32
      %dma_start3A_344 = tpu.memref_slice %arg2[%dma_start3A_342, %dma_start3A_343] : memref<131072x768xf32, #tpu.memory_space<hbm>> -> memref<131072x768xf32, #tpu.memory_space<hbm>>
      tpu.enqueue_indirect_dma source(%dma_start3A_344 : memref<131072x768xf32, #tpu.memory_space<hbm>>) target(%arg9 : memref<16x768xf32, #tpu.memory_space<vmem>>) offsets(%dma_start3A_341 : memref<16xi32, #tpu.memory_space<vmem>>) semaphore(%arg17 : memref<!tpu.dma_semaphore, #tpu.memory_space<semaphore_mem>>)
      %add3A_345 = arith.constant 4 : i32
      %add3A_346 = arith.addi %add3A_217, %add3A_345 : i32
      %dma_wait3A_347 = arith.constant 0 : i32
      %dma_wait3A_348 = tpu.memref_slice %arg5[%add3A_346, %dma_wait3A_347] : memref<128x16xi32, #tpu.memory_space<vmem>> -> memref<1x16xi32, #tpu.memory_space<vmem>>
      %dma_wait3A_349 = tpu.memref_squeeze %dma_wait3A_348 : memref<1x16xi32, #tpu.memory_space<vmem>> -> memref<16xi32, #tpu.memory_space<vmem>>
      %dma_wait3A_350 = arith.constant 0 : i32
      %dma_wait3A_351 = arith.constant 0 : i32
      %dma_wait3A_352 = tpu.memref_slice %arg2[%dma_wait3A_350, %dma_wait3A_351] : memref<131072x768xf32, #tpu.memory_space<hbm>> -> memref<131072x768xf32, #tpu.memory_space<hbm>>
      tpu.wait_indirect_dma semaphore(%arg14 : memref<!tpu.dma_semaphore, #tpu.memory_space<semaphore_mem>>) src(%dma_wait3A_352 : memref<131072x768xf32, #tpu.memory_space<hbm>>) dst(%arg6 : memref<16x768xf32, #tpu.memory_space<vmem>>)
      %mul3A_353 = arith.constant 16 : i32
      %mul3A_354 = arith.muli %add3A_346, %mul3A_353 : i32
      %add3A_355 = arith.addi %mul3A_2, %mul3A_354 : i32
      %dma_start3A_356 = arith.constant 0 : i32
      %dma_start3A_357 = tpu.memref_slice %arg4[%add3A_355, %dma_start3A_356] : memref<65536x768xf32, #tpu.memory_space<hbm>> -> memref<16x768xf32, #tpu.memory_space<hbm>>
      %dma_start3A_358 = arith.constant 0 : i32
      %dma_start3A_359 = tpu.memref_slice %arg4[%add3A_355, %dma_start3A_358] : memref<65536x768xf32, #tpu.memory_space<hbm>> -> memref<16x768xf32, #tpu.memory_space<hbm>>
      tpu.enqueue_dma source(%arg6 : memref<16x768xf32, #tpu.memory_space<vmem>>) target(%dma_start3A_359 : memref<16x768xf32, #tpu.memory_space<hbm>>) target_semaphore(%arg22 : memref<!tpu.dma_semaphore, #tpu.memory_space<semaphore_mem>>)
      %sub3A_360 = arith.constant 4 : i32
      %sub3A_361 = arith.subi %add3A_346, %sub3A_360 : i32
      %mul3A_362 = arith.constant 16 : i32
      %mul3A_363 = arith.muli %sub3A_361, %mul3A_362 : i32
      %add3A_364 = arith.addi %mul3A_2, %mul3A_363 : i32
      %dma_wait3A_365 = arith.constant 0 : i32
      %dma_wait3A_366 = tpu.memref_slice %arg4[%add3A_364, %dma_wait3A_365] : memref<65536x768xf32, #tpu.memory_space<hbm>> -> memref<16x768xf32, #tpu.memory_space<hbm>>
      %dma_wait3A_367 = arith.constant 0 : i32
      %dma_wait3A_368 = tpu.memref_slice %arg4[%add3A_364, %dma_wait3A_367] : memref<65536x768xf32, #tpu.memory_space<hbm>> -> memref<16x768xf32, #tpu.memory_space<hbm>>
      tpu.wait_dma2 semaphore(%arg26 : memref<!tpu.dma_semaphore, #tpu.memory_space<semaphore_mem>>) src(%arg10 : memref<16x768xf32, #tpu.memory_space<vmem>>) dst(%dma_wait3A_368 : memref<16x768xf32, #tpu.memory_space<hbm>>)
      %add3A_369 = arith.constant 4 : i32
      %add3A_370 = arith.addi %add3A_346, %add3A_369 : i32
      %dma_start3A_371 = arith.constant 0 : i32
      %dma_start3A_372 = tpu.memref_slice %arg5[%add3A_370, %dma_start3A_371] : memref<128x16xi32, #tpu.memory_space<vmem>> -> memref<1x16xi32, #tpu.memory_space<vmem>>
      %dma_start3A_373 = tpu.memref_squeeze %dma_start3A_372 : memref<1x16xi32, #tpu.memory_space<vmem>> -> memref<16xi32, #tpu.memory_space<vmem>>
      %dma_start3A_374 = arith.constant 0 : i32
      %dma_start3A_375 = arith.constant 0 : i32
      %dma_start3A_376 = tpu.memref_slice %arg2[%dma_start3A_374, %dma_start3A_375] : memref<131072x768xf32, #tpu.memory_space<hbm>> -> memref<131072x768xf32, #tpu.memory_space<hbm>>
      tpu.enqueue_indirect_dma source(%dma_start3A_376 : memref<131072x768xf32, #tpu.memory_space<hbm>>) target(%arg10 : memref<16x768xf32, #tpu.memory_space<vmem>>) offsets(%dma_start3A_373 : memref<16xi32, #tpu.memory_space<vmem>>) semaphore(%arg18 : memref<!tpu.dma_semaphore, #tpu.memory_space<semaphore_mem>>)
      %add3A_377 = arith.constant 5 : i32
      %add3A_378 = arith.addi %add3A_217, %add3A_377 : i32
      %dma_wait3A_379 = arith.constant 0 : i32
      %dma_wait3A_380 = tpu.memref_slice %arg5[%add3A_378, %dma_wait3A_379] : memref<128x16xi32, #tpu.memory_space<vmem>> -> memref<1x16xi32, #tpu.memory_space<vmem>>
      %dma_wait3A_381 = tpu.memref_squeeze %dma_wait3A_380 : memref<1x16xi32, #tpu.memory_space<vmem>> -> memref<16xi32, #tpu.memory_space<vmem>>
      %dma_wait3A_382 = arith.constant 0 : i32
      %dma_wait3A_383 = arith.constant 0 : i32
      %dma_wait3A_384 = tpu.memref_slice %arg2[%dma_wait3A_382, %dma_wait3A_383] : memref<131072x768xf32, #tpu.memory_space<hbm>> -> memref<131072x768xf32, #tpu.memory_space<hbm>>
      tpu.wait_indirect_dma semaphore(%arg15 : memref<!tpu.dma_semaphore, #tpu.memory_space<semaphore_mem>>) src(%dma_wait3A_384 : memref<131072x768xf32, #tpu.memory_space<hbm>>) dst(%arg7 : memref<16x768xf32, #tpu.memory_space<vmem>>)
      %mul3A_385 = arith.constant 16 : i32
      %mul3A_386 = arith.muli %add3A_378, %mul3A_385 : i32
      %add3A_387 = arith.addi %mul3A_2, %mul3A_386 : i32
      %dma_start3A_388 = arith.constant 0 : i32
      %dma_start3A_389 = tpu.memref_slice %arg4[%add3A_387, %dma_start3A_388] : memref<65536x768xf32, #tpu.memory_space<hbm>> -> memref<16x768xf32, #tpu.memory_space<hbm>>
      %dma_start3A_390 = arith.constant 0 : i32
      %dma_start3A_391 = tpu.memref_slice %arg4[%add3A_387, %dma_start3A_390] : memref<65536x768xf32, #tpu.memory_space<hbm>> -> memref<16x768xf32, #tpu.memory_space<hbm>>
      tpu.enqueue_dma source(%arg7 : memref<16x768xf32, #tpu.memory_space<vmem>>) target(%dma_start3A_391 : memref<16x768xf32, #tpu.memory_space<hbm>>) target_semaphore(%arg23 : memref<!tpu.dma_semaphore, #tpu.memory_space<semaphore_mem>>)
      %sub3A_392 = arith.constant 4 : i32
      %sub3A_393 = arith.subi %add3A_378, %sub3A_392 : i32
      %mul3A_394 = arith.constant 16 : i32
      %mul3A_395 = arith.muli %sub3A_393, %mul3A_394 : i32
      %add3A_396 = arith.addi %mul3A_2, %mul3A_395 : i32
      %dma_wait3A_397 = arith.constant 0 : i32
      %dma_wait3A_398 = tpu.memref_slice %arg4[%add3A_396, %dma_wait3A_397] : memref<65536x768xf32, #tpu.memory_space<hbm>> -> memref<16x768xf32, #tpu.memory_space<hbm>>
      %dma_wait3A_399 = arith.constant 0 : i32
      %dma_wait3A_400 = tpu.memref_slice %arg4[%add3A_396, %dma_wait3A_399] : memref<65536x768xf32, #tpu.memory_space<hbm>> -> memref<16x768xf32, #tpu.memory_space<hbm>>
      tpu.wait_dma2 semaphore(%arg27 : memref<!tpu.dma_semaphore, #tpu.memory_space<semaphore_mem>>) src(%arg11 : memref<16x768xf32, #tpu.memory_space<vmem>>) dst(%dma_wait3A_400 : memref<16x768xf32, #tpu.memory_space<hbm>>)
      %add3A_401 = arith.constant 4 : i32
      %add3A_402 = arith.addi %add3A_378, %add3A_401 : i32
      %dma_start3A_403 = arith.constant 0 : i32
      %dma_start3A_404 = tpu.memref_slice %arg5[%add3A_402, %dma_start3A_403] : memref<128x16xi32, #tpu.memory_space<vmem>> -> memref<1x16xi32, #tpu.memory_space<vmem>>
      %dma_start3A_405 = tpu.memref_squeeze %dma_start3A_404 : memref<1x16xi32, #tpu.memory_space<vmem>> -> memref<16xi32, #tpu.memory_space<vmem>>
      %dma_start3A_406 = arith.constant 0 : i32
      %dma_start3A_407 = arith.constant 0 : i32
      %dma_start3A_408 = tpu.memref_slice %arg2[%dma_start3A_406, %dma_start3A_407] : memref<131072x768xf32, #tpu.memory_space<hbm>> -> memref<131072x768xf32, #tpu.memory_space<hbm>>
      tpu.enqueue_indirect_dma source(%dma_start3A_408 : memref<131072x768xf32, #tpu.memory_space<hbm>>) target(%arg11 : memref<16x768xf32, #tpu.memory_space<vmem>>) offsets(%dma_start3A_405 : memref<16xi32, #tpu.memory_space<vmem>>) semaphore(%arg19 : memref<!tpu.dma_semaphore, #tpu.memory_space<semaphore_mem>>)
      %add3A_409 = arith.constant 6 : i32
      %add3A_410 = arith.addi %add3A_217, %add3A_409 : i32
      %dma_wait3A_411 = arith.constant 0 : i32
      %dma_wait3A_412 = tpu.memref_slice %arg5[%add3A_410, %dma_wait3A_411] : memref<128x16xi32, #tpu.memory_space<vmem>> -> memref<1x16xi32, #tpu.memory_space<vmem>>
      %dma_wait3A_413 = tpu.memref_squeeze %dma_wait3A_412 : memref<1x16xi32, #tpu.memory_space<vmem>> -> memref<16xi32, #tpu.memory_space<vmem>>
      %dma_wait3A_414 = arith.constant 0 : i32
      %dma_wait3A_415 = arith.constant 0 : i32
      %dma_wait3A_416 = tpu.memref_slice %arg2[%dma_wait3A_414, %dma_wait3A_415] : memref<131072x768xf32, #tpu.memory_space<hbm>> -> memref<131072x768xf32, #tpu.memory_space<hbm>>
      tpu.wait_indirect_dma semaphore(%arg16 : memref<!tpu.dma_semaphore, #tpu.memory_space<semaphore_mem>>) src(%dma_wait3A_416 : memref<131072x768xf32, #tpu.memory_space<hbm>>) dst(%arg8 : memref<16x768xf32, #tpu.memory_space<vmem>>)
      %mul3A_417 = arith.constant 16 : i32
      %mul3A_418 = arith.muli %add3A_410, %mul3A_417 : i32
      %add3A_419 = arith.addi %mul3A_2, %mul3A_418 : i32
      %dma_start3A_420 = arith.constant 0 : i32
      %dma_start3A_421 = tpu.memref_slice %arg4[%add3A_419, %dma_start3A_420] : memref<65536x768xf32, #tpu.memory_space<hbm>> -> memref<16x768xf32, #tpu.memory_space<hbm>>
      %dma_start3A_422 = arith.constant 0 : i32
      %dma_start3A_423 = tpu.memref_slice %arg4[%add3A_419, %dma_start3A_422] : memref<65536x768xf32, #tpu.memory_space<hbm>> -> memref<16x768xf32, #tpu.memory_space<hbm>>
      tpu.enqueue_dma source(%arg8 : memref<16x768xf32, #tpu.memory_space<vmem>>) target(%dma_start3A_423 : memref<16x768xf32, #tpu.memory_space<hbm>>) target_semaphore(%arg24 : memref<!tpu.dma_semaphore, #tpu.memory_space<semaphore_mem>>)
      %sub3A_424 = arith.constant 4 : i32
      %sub3A_425 = arith.subi %add3A_410, %sub3A_424 : i32
      %mul3A_426 = arith.constant 16 : i32
      %mul3A_427 = arith.muli %sub3A_425, %mul3A_426 : i32
      %add3A_428 = arith.addi %mul3A_2, %mul3A_427 : i32
      %dma_wait3A_429 = arith.constant 0 : i32
      %dma_wait3A_430 = tpu.memref_slice %arg4[%add3A_428, %dma_wait3A_429] : memref<65536x768xf32, #tpu.memory_space<hbm>> -> memref<16x768xf32, #tpu.memory_space<hbm>>
      %dma_wait3A_431 = arith.constant 0 : i32
      %dma_wait3A_432 = tpu.memref_slice %arg4[%add3A_428, %dma_wait3A_431] : memref<65536x768xf32, #tpu.memory_space<hbm>> -> memref<16x768xf32, #tpu.memory_space<hbm>>
      tpu.wait_dma2 semaphore(%arg28 : memref<!tpu.dma_semaphore, #tpu.memory_space<semaphore_mem>>) src(%arg12 : memref<16x768xf32, #tpu.memory_space<vmem>>) dst(%dma_wait3A_432 : memref<16x768xf32, #tpu.memory_space<hbm>>)
      %add3A_433 = arith.constant 4 : i32
      %add3A_434 = arith.addi %add3A_410, %add3A_433 : i32
      %dma_start3A_435 = arith.constant 0 : i32
      %dma_start3A_436 = tpu.memref_slice %arg5[%add3A_434, %dma_start3A_435] : memref<128x16xi32, #tpu.memory_space<vmem>> -> memref<1x16xi32, #tpu.memory_space<vmem>>
      %dma_start3A_437 = tpu.memref_squeeze %dma_start3A_436 : memref<1x16xi32, #tpu.memory_space<vmem>> -> memref<16xi32, #tpu.memory_space<vmem>>
      %dma_start3A_438 = arith.constant 0 : i32
      %dma_start3A_439 = arith.constant 0 : i32
      %dma_start3A_440 = tpu.memref_slice %arg2[%dma_start3A_438, %dma_start3A_439] : memref<131072x768xf32, #tpu.memory_space<hbm>> -> memref<131072x768xf32, #tpu.memory_space<hbm>>
      tpu.enqueue_indirect_dma source(%dma_start3A_440 : memref<131072x768xf32, #tpu.memory_space<hbm>>) target(%arg12 : memref<16x768xf32, #tpu.memory_space<vmem>>) offsets(%dma_start3A_437 : memref<16xi32, #tpu.memory_space<vmem>>) semaphore(%arg20 : memref<!tpu.dma_semaphore, #tpu.memory_space<semaphore_mem>>)
      %add3A_441 = arith.constant 7 : i32
      %add3A_442 = arith.addi %add3A_217, %add3A_441 : i32
      %dma_wait3A_443 = arith.constant 0 : i32
      %dma_wait3A_444 = tpu.memref_slice %arg5[%add3A_442, %dma_wait3A_443] : memref<128x16xi32, #tpu.memory_space<vmem>> -> memref<1x16xi32, #tpu.memory_space<vmem>>
      %dma_wait3A_445 = tpu.memref_squeeze %dma_wait3A_444 : memref<1x16xi32, #tpu.memory_space<vmem>> -> memref<16xi32, #tpu.memory_space<vmem>>
      %dma_wait3A_446 = arith.constant 0 : i32
      %dma_wait3A_447 = arith.constant 0 : i32
      %dma_wait3A_448 = tpu.memref_slice %arg2[%dma_wait3A_446, %dma_wait3A_447] : memref<131072x768xf32, #tpu.memory_space<hbm>> -> memref<131072x768xf32, #tpu.memory_space<hbm>>
      tpu.wait_indirect_dma semaphore(%arg17 : memref<!tpu.dma_semaphore, #tpu.memory_space<semaphore_mem>>) src(%dma_wait3A_448 : memref<131072x768xf32, #tpu.memory_space<hbm>>) dst(%arg9 : memref<16x768xf32, #tpu.memory_space<vmem>>)
      %mul3A_449 = arith.constant 16 : i32
      %mul3A_450 = arith.muli %add3A_442, %mul3A_449 : i32
      %add3A_451 = arith.addi %mul3A_2, %mul3A_450 : i32
      %dma_start3A_452 = arith.constant 0 : i32
      %dma_start3A_453 = tpu.memref_slice %arg4[%add3A_451, %dma_start3A_452] : memref<65536x768xf32, #tpu.memory_space<hbm>> -> memref<16x768xf32, #tpu.memory_space<hbm>>
      %dma_start3A_454 = arith.constant 0 : i32
      %dma_start3A_455 = tpu.memref_slice %arg4[%add3A_451, %dma_start3A_454] : memref<65536x768xf32, #tpu.memory_space<hbm>> -> memref<16x768xf32, #tpu.memory_space<hbm>>
      tpu.enqueue_dma source(%arg9 : memref<16x768xf32, #tpu.memory_space<vmem>>) target(%dma_start3A_455 : memref<16x768xf32, #tpu.memory_space<hbm>>) target_semaphore(%arg25 : memref<!tpu.dma_semaphore, #tpu.memory_space<semaphore_mem>>)
      %sub3A_456 = arith.constant 4 : i32
      %sub3A_457 = arith.subi %add3A_442, %sub3A_456 : i32
      %mul3A_458 = arith.constant 16 : i32
      %mul3A_459 = arith.muli %sub3A_457, %mul3A_458 : i32
      %add3A_460 = arith.addi %mul3A_2, %mul3A_459 : i32
      %dma_wait3A_461 = arith.constant 0 : i32
      %dma_wait3A_462 = tpu.memref_slice %arg4[%add3A_460, %dma_wait3A_461] : memref<65536x768xf32, #tpu.memory_space<hbm>> -> memref<16x768xf32, #tpu.memory_space<hbm>>
      %dma_wait3A_463 = arith.constant 0 : i32
      %dma_wait3A_464 = tpu.memref_slice %arg4[%add3A_460, %dma_wait3A_463] : memref<65536x768xf32, #tpu.memory_space<hbm>> -> memref<16x768xf32, #tpu.memory_space<hbm>>
      tpu.wait_dma2 semaphore(%arg29 : memref<!tpu.dma_semaphore, #tpu.memory_space<semaphore_mem>>) src(%arg13 : memref<16x768xf32, #tpu.memory_space<vmem>>) dst(%dma_wait3A_464 : memref<16x768xf32, #tpu.memory_space<hbm>>)
      %add3A_465 = arith.constant 4 : i32
      %add3A_466 = arith.addi %add3A_442, %add3A_465 : i32
      %dma_start3A_467 = arith.constant 0 : i32
      %dma_start3A_468 = tpu.memref_slice %arg5[%add3A_466, %dma_start3A_467] : memref<128x16xi32, #tpu.memory_space<vmem>> -> memref<1x16xi32, #tpu.memory_space<vmem>>
      %dma_start3A_469 = tpu.memref_squeeze %dma_start3A_468 : memref<1x16xi32, #tpu.memory_space<vmem>> -> memref<16xi32, #tpu.memory_space<vmem>>
      %dma_start3A_470 = arith.constant 0 : i32
      %dma_start3A_471 = arith.constant 0 : i32
      %dma_start3A_472 = tpu.memref_slice %arg2[%dma_start3A_470, %dma_start3A_471] : memref<131072x768xf32, #tpu.memory_space<hbm>> -> memref<131072x768xf32, #tpu.memory_space<hbm>>
      tpu.enqueue_indirect_dma source(%dma_start3A_472 : memref<131072x768xf32, #tpu.memory_space<hbm>>) target(%arg13 : memref<16x768xf32, #tpu.memory_space<vmem>>) offsets(%dma_start3A_469 : memref<16xi32, #tpu.memory_space<vmem>>) semaphore(%arg21 : memref<!tpu.dma_semaphore, #tpu.memory_space<semaphore_mem>>)
    }
    %scan3A_112 = arith.constant 15 : i32
    %dma_wait3A_113 = arith.constant 124 : i32
    %dma_wait3A_114 = arith.constant 0 : i32
    %dma_wait3A_115 = tpu.memref_slice %arg5[%dma_wait3A_113, %dma_wait3A_114] : memref<128x16xi32, #tpu.memory_space<vmem>> -> memref<1x16xi32, #tpu.memory_space<vmem>>
    %dma_wait3A_116 = tpu.memref_squeeze %dma_wait3A_115 : memref<1x16xi32, #tpu.memory_space<vmem>> -> memref<16xi32, #tpu.memory_space<vmem>>
    %dma_wait3A_117 = arith.constant 0 : i32
    %dma_wait3A_118 = arith.constant 0 : i32
    %dma_wait3A_119 = tpu.memref_slice %arg2[%dma_wait3A_117, %dma_wait3A_118] : memref<131072x768xf32, #tpu.memory_space<hbm>> -> memref<131072x768xf32, #tpu.memory_space<hbm>>
    tpu.wait_indirect_dma semaphore(%arg18 : memref<!tpu.dma_semaphore, #tpu.memory_space<semaphore_mem>>) src(%dma_wait3A_119 : memref<131072x768xf32, #tpu.memory_space<hbm>>) dst(%arg10 : memref<16x768xf32, #tpu.memory_space<vmem>>)
    %add3A_120 = arith.constant 1984 : i32
    %add3A_121 = arith.addi %mul3A_2, %add3A_120 : i32
    %dma_start3A_122 = arith.constant 0 : i32
    %dma_start3A_123 = tpu.memref_slice %arg4[%add3A_121, %dma_start3A_122] : memref<65536x768xf32, #tpu.memory_space<hbm>> -> memref<16x768xf32, #tpu.memory_space<hbm>>
    %dma_start3A_124 = arith.constant 0 : i32
    %dma_start3A_125 = tpu.memref_slice %arg4[%add3A_121, %dma_start3A_124] : memref<65536x768xf32, #tpu.memory_space<hbm>> -> memref<16x768xf32, #tpu.memory_space<hbm>>
    tpu.enqueue_dma source(%arg10 : memref<16x768xf32, #tpu.memory_space<vmem>>) target(%dma_start3A_125 : memref<16x768xf32, #tpu.memory_space<hbm>>) target_semaphore(%arg26 : memref<!tpu.dma_semaphore, #tpu.memory_space<semaphore_mem>>)
    %add3A_126 = arith.constant 1920 : i32
    %add3A_127 = arith.addi %mul3A_2, %add3A_126 : i32
    %dma_wait3A_128 = arith.constant 0 : i32
    %dma_wait3A_129 = tpu.memref_slice %arg4[%add3A_127, %dma_wait3A_128] : memref<65536x768xf32, #tpu.memory_space<hbm>> -> memref<16x768xf32, #tpu.memory_space<hbm>>
    %dma_wait3A_130 = arith.constant 0 : i32
    %dma_wait3A_131 = tpu.memref_slice %arg4[%add3A_127, %dma_wait3A_130] : memref<65536x768xf32, #tpu.memory_space<hbm>> -> memref<16x768xf32, #tpu.memory_space<hbm>>
    tpu.wait_dma2 semaphore(%arg22 : memref<!tpu.dma_semaphore, #tpu.memory_space<semaphore_mem>>) src(%arg6 : memref<16x768xf32, #tpu.memory_space<vmem>>) dst(%dma_wait3A_131 : memref<16x768xf32, #tpu.memory_space<hbm>>)
    %dma_wait3A_132 = arith.constant 125 : i32
    %dma_wait3A_133 = arith.constant 0 : i32
    %dma_wait3A_134 = tpu.memref_slice %arg5[%dma_wait3A_132, %dma_wait3A_133] : memref<128x16xi32, #tpu.memory_space<vmem>> -> memref<1x16xi32, #tpu.memory_space<vmem>>
    %dma_wait3A_135 = tpu.memref_squeeze %dma_wait3A_134 : memref<1x16xi32, #tpu.memory_space<vmem>> -> memref<16xi32, #tpu.memory_space<vmem>>
    %dma_wait3A_136 = arith.constant 0 : i32
    %dma_wait3A_137 = arith.constant 0 : i32
    %dma_wait3A_138 = tpu.memref_slice %arg2[%dma_wait3A_136, %dma_wait3A_137] : memref<131072x768xf32, #tpu.memory_space<hbm>> -> memref<131072x768xf32, #tpu.memory_space<hbm>>
    tpu.wait_indirect_dma semaphore(%arg19 : memref<!tpu.dma_semaphore, #tpu.memory_space<semaphore_mem>>) src(%dma_wait3A_138 : memref<131072x768xf32, #tpu.memory_space<hbm>>) dst(%arg11 : memref<16x768xf32, #tpu.memory_space<vmem>>)
    %add3A_139 = arith.constant 2000 : i32
    %add3A_140 = arith.addi %mul3A_2, %add3A_139 : i32
    %dma_start3A_141 = arith.constant 0 : i32
    %dma_start3A_142 = tpu.memref_slice %arg4[%add3A_140, %dma_start3A_141] : memref<65536x768xf32, #tpu.memory_space<hbm>> -> memref<16x768xf32, #tpu.memory_space<hbm>>
    %dma_start3A_143 = arith.constant 0 : i32
    %dma_start3A_144 = tpu.memref_slice %arg4[%add3A_140, %dma_start3A_143] : memref<65536x768xf32, #tpu.memory_space<hbm>> -> memref<16x768xf32, #tpu.memory_space<hbm>>
    tpu.enqueue_dma source(%arg11 : memref<16x768xf32, #tpu.memory_space<vmem>>) target(%dma_start3A_144 : memref<16x768xf32, #tpu.memory_space<hbm>>) target_semaphore(%arg27 : memref<!tpu.dma_semaphore, #tpu.memory_space<semaphore_mem>>)
    %add3A_145 = arith.constant 1936 : i32
    %add3A_146 = arith.addi %mul3A_2, %add3A_145 : i32
    %dma_wait3A_147 = arith.constant 0 : i32
    %dma_wait3A_148 = tpu.memref_slice %arg4[%add3A_146, %dma_wait3A_147] : memref<65536x768xf32, #tpu.memory_space<hbm>> -> memref<16x768xf32, #tpu.memory_space<hbm>>
    %dma_wait3A_149 = arith.constant 0 : i32
    %dma_wait3A_150 = tpu.memref_slice %arg4[%add3A_146, %dma_wait3A_149] : memref<65536x768xf32, #tpu.memory_space<hbm>> -> memref<16x768xf32, #tpu.memory_space<hbm>>
    tpu.wait_dma2 semaphore(%arg23 : memref<!tpu.dma_semaphore, #tpu.memory_space<semaphore_mem>>) src(%arg7 : memref<16x768xf32, #tpu.memory_space<vmem>>) dst(%dma_wait3A_150 : memref<16x768xf32, #tpu.memory_space<hbm>>)
    %dma_wait3A_151 = arith.constant 126 : i32
    %dma_wait3A_152 = arith.constant 0 : i32
    %dma_wait3A_153 = tpu.memref_slice %arg5[%dma_wait3A_151, %dma_wait3A_152] : memref<128x16xi32, #tpu.memory_space<vmem>> -> memref<1x16xi32, #tpu.memory_space<vmem>>
    %dma_wait3A_154 = tpu.memref_squeeze %dma_wait3A_153 : memref<1x16xi32, #tpu.memory_space<vmem>> -> memref<16xi32, #tpu.memory_space<vmem>>
    %dma_wait3A_155 = arith.constant 0 : i32
    %dma_wait3A_156 = arith.constant 0 : i32
    %dma_wait3A_157 = tpu.memref_slice %arg2[%dma_wait3A_155, %dma_wait3A_156] : memref<131072x768xf32, #tpu.memory_space<hbm>> -> memref<131072x768xf32, #tpu.memory_space<hbm>>
    tpu.wait_indirect_dma semaphore(%arg20 : memref<!tpu.dma_semaphore, #tpu.memory_space<semaphore_mem>>) src(%dma_wait3A_157 : memref<131072x768xf32, #tpu.memory_space<hbm>>) dst(%arg12 : memref<16x768xf32, #tpu.memory_space<vmem>>)
    %add3A_158 = arith.constant 2016 : i32
    %add3A_159 = arith.addi %mul3A_2, %add3A_158 : i32
    %dma_start3A_160 = arith.constant 0 : i32
    %dma_start3A_161 = tpu.memref_slice %arg4[%add3A_159, %dma_start3A_160] : memref<65536x768xf32, #tpu.memory_space<hbm>> -> memref<16x768xf32, #tpu.memory_space<hbm>>
    %dma_start3A_162 = arith.constant 0 : i32
    %dma_start3A_163 = tpu.memref_slice %arg4[%add3A_159, %dma_start3A_162] : memref<65536x768xf32, #tpu.memory_space<hbm>> -> memref<16x768xf32, #tpu.memory_space<hbm>>
    tpu.enqueue_dma source(%arg12 : memref<16x768xf32, #tpu.memory_space<vmem>>) target(%dma_start3A_163 : memref<16x768xf32, #tpu.memory_space<hbm>>) target_semaphore(%arg28 : memref<!tpu.dma_semaphore, #tpu.memory_space<semaphore_mem>>)
    %add3A_164 = arith.constant 1952 : i32
    %add3A_165 = arith.addi %mul3A_2, %add3A_164 : i32
    %dma_wait3A_166 = arith.constant 0 : i32
    %dma_wait3A_167 = tpu.memref_slice %arg4[%add3A_165, %dma_wait3A_166] : memref<65536x768xf32, #tpu.memory_space<hbm>> -> memref<16x768xf32, #tpu.memory_space<hbm>>
    %dma_wait3A_168 = arith.constant 0 : i32
    %dma_wait3A_169 = tpu.memref_slice %arg4[%add3A_165, %dma_wait3A_168] : memref<65536x768xf32, #tpu.memory_space<hbm>> -> memref<16x768xf32, #tpu.memory_space<hbm>>
    tpu.wait_dma2 semaphore(%arg24 : memref<!tpu.dma_semaphore, #tpu.memory_space<semaphore_mem>>) src(%arg8 : memref<16x768xf32, #tpu.memory_space<vmem>>) dst(%dma_wait3A_169 : memref<16x768xf32, #tpu.memory_space<hbm>>)
    %dma_wait3A_170 = arith.constant 127 : i32
    %dma_wait3A_171 = arith.constant 0 : i32
    %dma_wait3A_172 = tpu.memref_slice %arg5[%dma_wait3A_170, %dma_wait3A_171] : memref<128x16xi32, #tpu.memory_space<vmem>> -> memref<1x16xi32, #tpu.memory_space<vmem>>
    %dma_wait3A_173 = tpu.memref_squeeze %dma_wait3A_172 : memref<1x16xi32, #tpu.memory_space<vmem>> -> memref<16xi32, #tpu.memory_space<vmem>>
    %dma_wait3A_174 = arith.constant 0 : i32
    %dma_wait3A_175 = arith.constant 0 : i32
    %dma_wait3A_176 = tpu.memref_slice %arg2[%dma_wait3A_174, %dma_wait3A_175] : memref<131072x768xf32, #tpu.memory_space<hbm>> -> memref<131072x768xf32, #tpu.memory_space<hbm>>
    tpu.wait_indirect_dma semaphore(%arg21 : memref<!tpu.dma_semaphore, #tpu.memory_space<semaphore_mem>>) src(%dma_wait3A_176 : memref<131072x768xf32, #tpu.memory_space<hbm>>) dst(%arg13 : memref<16x768xf32, #tpu.memory_space<vmem>>)
    %add3A_177 = arith.constant 2032 : i32
    %add3A_178 = arith.addi %mul3A_2, %add3A_177 : i32
    %dma_start3A_179 = arith.constant 0 : i32
    %dma_start3A_180 = tpu.memref_slice %arg4[%add3A_178, %dma_start3A_179] : memref<65536x768xf32, #tpu.memory_space<hbm>> -> memref<16x768xf32, #tpu.memory_space<hbm>>
    %dma_start3A_181 = arith.constant 0 : i32
    %dma_start3A_182 = tpu.memref_slice %arg4[%add3A_178, %dma_start3A_181] : memref<65536x768xf32, #tpu.memory_space<hbm>> -> memref<16x768xf32, #tpu.memory_space<hbm>>
    tpu.enqueue_dma source(%arg13 : memref<16x768xf32, #tpu.memory_space<vmem>>) target(%dma_start3A_182 : memref<16x768xf32, #tpu.memory_space<hbm>>) target_semaphore(%arg29 : memref<!tpu.dma_semaphore, #tpu.memory_space<semaphore_mem>>)
    %add3A_183 = arith.constant 1968 : i32
    %add3A_184 = arith.addi %mul3A_2, %add3A_183 : i32
    %dma_wait3A_185 = arith.constant 0 : i32
    %dma_wait3A_186 = tpu.memref_slice %arg4[%add3A_184, %dma_wait3A_185] : memref<65536x768xf32, #tpu.memory_space<hbm>> -> memref<16x768xf32, #tpu.memory_space<hbm>>
    %dma_wait3A_187 = arith.constant 0 : i32
    %dma_wait3A_188 = tpu.memref_slice %arg4[%add3A_184, %dma_wait3A_187] : memref<65536x768xf32, #tpu.memory_space<hbm>> -> memref<16x768xf32, #tpu.memory_space<hbm>>
    tpu.wait_dma2 semaphore(%arg25 : memref<!tpu.dma_semaphore, #tpu.memory_space<semaphore_mem>>) src(%arg9 : memref<16x768xf32, #tpu.memory_space<vmem>>) dst(%dma_wait3A_188 : memref<16x768xf32, #tpu.memory_space<hbm>>)
    %add3A_189 = arith.constant 1984 : i32
    %add3A_190 = arith.addi %mul3A_2, %add3A_189 : i32
    %dma_wait3A_191 = arith.constant 0 : i32
    %dma_wait3A_192 = tpu.memref_slice %arg4[%add3A_190, %dma_wait3A_191] : memref<65536x768xf32, #tpu.memory_space<hbm>> -> memref<16x768xf32, #tpu.memory_space<hbm>>
    %dma_wait3A_193 = arith.constant 0 : i32
    %dma_wait3A_194 = tpu.memref_slice %arg4[%add3A_190, %dma_wait3A_193] : memref<65536x768xf32, #tpu.memory_space<hbm>> -> memref<16x768xf32, #tpu.memory_space<hbm>>
    tpu.wait_dma2 semaphore(%arg26 : memref<!tpu.dma_semaphore, #tpu.memory_space<semaphore_mem>>) src(%arg10 : memref<16x768xf32, #tpu.memory_space<vmem>>) dst(%dma_wait3A_194 : memref<16x768xf32, #tpu.memory_space<hbm>>)
    %add3A_195 = arith.constant 2000 : i32
    %add3A_196 = arith.addi %mul3A_2, %add3A_195 : i32
    %dma_wait3A_197 = arith.constant 0 : i32
    %dma_wait3A_198 = tpu.memref_slice %arg4[%add3A_196, %dma_wait3A_197] : memref<65536x768xf32, #tpu.memory_space<hbm>> -> memref<16x768xf32, #tpu.memory_space<hbm>>
    %dma_wait3A_199 = arith.constant 0 : i32
    %dma_wait3A_200 = tpu.memref_slice %arg4[%add3A_196, %dma_wait3A_199] : memref<65536x768xf32, #tpu.memory_space<hbm>> -> memref<16x768xf32, #tpu.memory_space<hbm>>
    tpu.wait_dma2 semaphore(%arg27 : memref<!tpu.dma_semaphore, #tpu.memory_space<semaphore_mem>>) src(%arg11 : memref<16x768xf32, #tpu.memory_space<vmem>>) dst(%dma_wait3A_200 : memref<16x768xf32, #tpu.memory_space<hbm>>)
    %add3A_201 = arith.constant 2016 : i32
    %add3A_202 = arith.addi %mul3A_2, %add3A_201 : i32
    %dma_wait3A_203 = arith.constant 0 : i32
    %dma_wait3A_204 = tpu.memref_slice %arg4[%add3A_202, %dma_wait3A_203] : memref<65536x768xf32, #tpu.memory_space<hbm>> -> memref<16x768xf32, #tpu.memory_space<hbm>>
    %dma_wait3A_205 = arith.constant 0 : i32
    %dma_wait3A_206 = tpu.memref_slice %arg4[%add3A_202, %dma_wait3A_205] : memref<65536x768xf32, #tpu.memory_space<hbm>> -> memref<16x768xf32, #tpu.memory_space<hbm>>
    tpu.wait_dma2 semaphore(%arg28 : memref<!tpu.dma_semaphore, #tpu.memory_space<semaphore_mem>>) src(%arg12 : memref<16x768xf32, #tpu.memory_space<vmem>>) dst(%dma_wait3A_206 : memref<16x768xf32, #tpu.memory_space<hbm>>)
    %add3A_207 = arith.constant 2032 : i32
    %add3A_208 = arith.addi %mul3A_2, %add3A_207 : i32
    %dma_wait3A_209 = arith.constant 0 : i32
    %dma_wait3A_210 = tpu.memref_slice %arg4[%add3A_208, %dma_wait3A_209] : memref<65536x768xf32, #tpu.memory_space<hbm>> -> memref<16x768xf32, #tpu.memory_space<hbm>>
    %dma_wait3A_211 = arith.constant 0 : i32
    %dma_wait3A_212 = tpu.memref_slice %arg4[%add3A_208, %dma_wait3A_211] : memref<65536x768xf32, #tpu.memory_space<hbm>> -> memref<16x768xf32, #tpu.memory_space<hbm>>
    tpu.wait_dma2 semaphore(%arg29 : memref<!tpu.dma_semaphore, #tpu.memory_space<semaphore_mem>>) src(%arg13 : memref<16x768xf32, #tpu.memory_space<vmem>>) dst(%dma_wait3A_212 : memref<16x768xf32, #tpu.memory_space<hbm>>)
    return
  }
}

</mosaic_0001>

<sc_bundles>
// kernel: kernel.3.cloned.1.call-start
scs
__scs_entry_jumppad:
0x0: {  	(pc) =	sbr.rel $0x88, $3  }
0x1: {  	(tag) =	ssettag $0x0;
	lr =	simm.s32 $0x1  }
0x2: {  	[smem:$0x3FA0] =	sst lr;
	_ =	strace $0xD0000000  }
0x3: {  	_ = 	snop  }
0x4: {  	_ = 	snop  }
0x5: {  	_ = 	snop  }
0x6: {  	_ = 	snop  }
0x7: {  	_ = 	snop  }
__scs_overlays_trampoline_lowered:
0x8: {  	[smem:$0x3FAF] =	sst s0  }
0x9: {  	[smem:$0x3FB0] =	sst s1  }
0xa: {  	[smem:$0x3FB1] =	sst s2  }
0xb: {  	[smem:$0x3FB2] =	sst s3  }
0xc: {  	[smem:$0x3FB3] =	sst s4  }
0xd: {  	[smem:$0x3FB4] =	sst s5  }
0xe: {  	[smem:$0x3FB5] =	sst s6  }
0xf: {  	[smem:$0x3FB6] =	sst s7  }
0x10: {  	[smem:$0x3FB7] =	sst s8  }
0x11: {  	[smem:$0x3FB8] =	sst s9;
	s0 =	simm.s32 @!p0 $0x0  }
0x12: {  	s1 =	sld [smem:$0x3F9E];
	s0 =	simm.s32 @p0 $0x1  }
0x13: {  	[smem:$0x3FB9] =	sst s0;
	s0 =	simm.s32 @!p1 $0x0  }
0x14: {  	s2 =	sld [smem:$0x3F9D];
	s0 =	simm.s32 @p1 $0x1  }
0x15: {  	[smem:$0x3FBA] =	sst s0;
	s0 =	simm.s32 @!p2 $0x0  }
0x16: {  	s3 =	sld [smem:$0x3FDB];
	s0 =	simm.s32 @p2 $0x1  }
0x17: {  	s4 =	simm.s32 $0x1BF5;
	[smem:$0x3FBC] =	sst s0  }
0x18: {  	s0 =	sld [smem:$0x3F9F];
	_ =	swait.ge [sflag:s4], $0x0  }
0x19: {  	s7 =	sld [smem:$0x3FA0]  }
0x1a: {  	s8 =	sadd.s32 $0xFFFFE003, lr  }
0x1b: {  	s9 =	sadd.s32 $0xFFFFFEF7, lr;
	s5 =	simm.s32 $0xFFFFFFFF;
	p2 =	slt.u32 s8, $0xFFFFF086  }
0x1c: {  	p1 =	slt.u32 s9, $0xF7A;
	s5 =	simm.s32 @!p2 $0x0  }
0x1d: {  	s5 =	simm.s32 @p1 $0x1;
	p0 =	seq.s32 s7, s2  }
0x1e: {  	s7 =	smul.u32 @!p0 $0xF7A, s2;
	p2 =	seq.s32 @!p0 s5, $0x0  }
0x1f: {  	s9 =	smul.u32 $0xF7A, s1;
	s8 =	simm.s32 @!p0 $0x1BF5;
	p2 =	por !p2, p0  }
0x20: {  	[sflag:s8] =	ssyncset.s32 @!p0 $0xFFFFF086;
	s6 =	sadd.s32 @!p0 s3, s7;
	s7 =	simm.s32 @!p0 $0x108  }
0x21: {  	s3 =	sadd.s32 s3, s9;
	s6 =	sadd.s32 @!p0 $0x88, s6;
	s7 =	simm.s32 @p2 $0x1082  }
0x22: {  	[simem:s7], [sflag:s8] =	dma.local @!p0 [hbm:s6], $0xF7A  }
0x23: {  	s9 =	sor.u32 $0xD0000000, s2;
	s6 =	simm.s32 $0x108;
	_ =	swait.ge @!p0 [sflag:s8], $0x0  }
0x24: {  	s3 =	sadd.s32 $0x88, s3;
	s6 =	simm.s32 @!p1 $0x1082;
	[sflag:s4] =	ssyncset.s32 $0xFFFFF086  }
0x25: {  	[simem:s6], [sflag:s4] =	dma.local [hbm:s3], $0xF7A  }
0x26: {  	[smem:$0x3FA0] =	sst s1;
	(tag) =	ssettag s2;
	_ =	strace s9  }
0x27: {  	s1 =	sld [smem:$0x3FB0]  }
0x28: {  	s2 =	sld [smem:$0x3FB1]  }
0x29: {  	s4 =	sld [smem:$0x3FB3]  }
0x2a: {  	p0 =	seq.s32 s5, $0x0;
	s5 =	sld [smem:$0x3FB4]  }
0x2b: {  	s6 =	sld [smem:$0x3FB5]  }
0x2c: {  	s7 =	sld [smem:$0x3FB6]  }
0x2d: {  	s3 =	simm.s32 $0x108;
	s8 =	sld [smem:$0x3FB7]  }
0x2e: {  	s3 =	simm.s32 @!p0 $0x1082;
	s9 =	sld [smem:$0x3FB8]  }
0x2f: {  	lr =	sadd.s32 s0, s3;
	s0 =	sld [smem:$0x3FAF]  }
0x30: {  	s3 =	sld [smem:$0x3FB2]  }
0x31: {  	[smem:$0x3FBB] =	sst s10  }
0x32: {  	s10 =	sld [smem:$0x3FB9];
	_ =	sdelay $0x3  }
0x33: {  	p0 =	seq.s32 s10, $0x1;
	s10 =	sld [smem:$0x3FBB];
	_ =	sdelay $0x3  }
0x34: {  	[smem:$0x3FBB] =	sst s10  }
0x35: {  	s10 =	sld [smem:$0x3FBA];
	_ =	sdelay $0x3  }
0x36: {  	p1 =	seq.s32 s10, $0x1;
	s10 =	sld [smem:$0x3FBB];
	_ =	sdelay $0x3  }
0x37: {  	[smem:$0x3FBB] =	sst s10  }
0x38: {  	s10 =	sld [smem:$0x3FBC]  }
0x39: {  	_ = 	snop;
	(pc) =	sbr.ind lr, $3  }
0x3a: {  	_ = 	snop  }
0x3b: {  	_ = 	snop  }
0x3c: {  	p2 =	seq.s32 s10, $0x1;
	s10 =	sld [smem:$0x3FBB]  }
0x3d: {  	_ =	shalt  }
0x3e: {  	_ =	shalt  }
0x3f: {  	_ =	shalt  }
0x40: {  	_ =	shalt  }
0x41: {  	_ =	shalt  }
0x42: {  	_ =	shalt  }
0x43: {  	_ =	shalt  }
0x44: {  	_ =	shalt  }
0x45: {  	_ =	shalt  }
0x46: {  	_ =	shalt  }
0x47: {  	_ =	shalt  }
0x48: {  	_ =	shalt  }
0x49: {  	_ =	shalt  }
0x4a: {  	_ =	shalt  }
0x4b: {  	_ =	shalt  }
0x4c: {  	_ =	shalt  }
0x4d: {  	_ =	shalt  }
0x4e: {  	_ =	shalt  }
0x4f: {  	_ =	shalt  }
0x50: {  	_ =	shalt  }
0x51: {  	_ =	shalt  }
0x52: {  	_ =	shalt  }
0x53: {  	_ =	shalt  }
0x54: {  	_ =	shalt  }
0x55: {  	_ =	shalt  }
0x56: {  	_ =	shalt  }
0x57: {  	_ =	shalt  }
0x58: {  	_ =	shalt  }
0x59: {  	_ =	shalt  }
0x5a: {  	_ =	shalt  }
0x5b: {  	_ =	shalt  }
0x5c: {  	_ =	shalt  }
0x5d: {  	_ =	shalt  }
0x5e: {  	_ =	shalt  }
0x5f: {  	_ =	shalt  }
0x60: {  	_ =	shalt  }
0x61: {  	_ =	shalt  }
0x62: {  	_ =	shalt  }
0x63: {  	_ =	shalt  }
0x64: {  	_ =	shalt  }
0x65: {  	_ =	shalt  }
0x66: {  	_ =	shalt  }
0x67: {  	_ =	shalt  }
0x68: {  	_ =	shalt  }
0x69: {  	_ =	shalt  }
0x6a: {  	_ =	shalt  }
0x6b: {  	_ =	shalt  }
0x6c: {  	_ =	shalt  }
0x6d: {  	_ =	shalt  }
0x6e: {  	_ =	shalt  }
0x6f: {  	_ =	shalt  }
0x70: {  	_ =	shalt  }
0x71: {  	_ =	shalt  }
0x72: {  	_ =	shalt  }
0x73: {  	_ =	shalt  }
0x74: {  	_ =	shalt  }
0x75: {  	_ =	shalt  }
0x76: {  	_ =	shalt  }
0x77: {  	_ =	shalt  }
0x78: {  	_ =	shalt  }
0x79: {  	_ =	shalt  }
0x7a: {  	_ =	shalt  }
0x7b: {  	_ =	shalt  }
0x7c: {  	_ =	shalt  }
0x7d: {  	_ =	shalt  }
0x7e: {  	_ =	shalt  }
0x7f: {  	_ =	shalt  }
0x80: {  	_ =	shalt  }
0x81: {  	_ =	shalt  }
0x82: {  	_ =	shalt  }
0x83: {  	_ =	shalt  }
0x84: {  	_ =	shalt  }
0x85: {  	_ =	shalt  }
0x86: {  	_ =	shalt  }
0x87: {  	_ =	shalt  }
.Lfunc_end0:
.L_simem_size_0:
called_computation_lowered:
.L_overlay_start_0:
0x88: {  	s2 =	sld [smem:$0x3FD9]  }
0x89: {  	s3 =	sld [smem:$0x3FFE];
	_ =	sdelay $0x1  }
0x8a: {  	s1 =	srdreg.scid  }
0x8b: {  	s0 =	sand.u32 $0x1, s1  }
0x8c: {  	s14 =	sshll.u32 s0, $0xA;
	s2 =	sadd.s32 s3, s2  }
0x8d: {  	s2 =	sadd.s32 s2, s14  }
0x8e: {  	[smem:$0x3FC7] =	sst s2  }
0x8f: {  	_ = 	snop  }
0x90: {  	s2 =	sld [smem:$0x3FD0];
	_ =	sdelay $0x2  }
0x91: {  	s4 =	simm.s32 $0xA;
	s5 =	simm.s32 $0x10;
	s15 =	sld [smem:$0x3FC9]  }
0x92: {  	[smem:s5], [sflag:s4] =	dma.local [hbm:s2], $0x1  }
0x93: {  	_ =	swait.eq [sflag:s4], $0x1  }
0x94: {  	[sflag:s4] =	ssyncset.done $0x0  }
0x95: {  	[sflag:s4] =	ssyncadd.s32 $0xFFFFFFFF  }
0x96: {  	s16 =	sld [smem:$0x10];
	(tm) =	ssettm $0x1  }
0x97: {  	s17 =	sld [smem:$0x3FFB];
	_ =	sdelay $0x3  }
0x98: {  	_ =	strace s17  }
0x99: {  	s4 =	sld [smem:$0x3FFC];
	_ =	sdelay $0x3  }
0x9a: {  	_ =	strace s4  }
0x9b: {  	s4 =	sld [smem:$0x3FFD];
	_ =	sdelay $0x3  }
0x9c: {  	_ =	strace s4  }
0x9d: {  	_ =	strace $0x8FFFFFFF  }
0x9e: {  	s18 =	sld [smem:$0x3FDB];
	_ =	sdelay $0x1  }
0x9f: {  	s19 =	simm.s32 $_scs_section_size  }
0xa0: {  	s6 =	simm.s32 $_size__tile_overlayer_lowered;
	s7 =	simm.s32 $_tile_overlayer_lowered  }
0xa1: {  	s22 =	simm.s32 $0x1BFF;
	s21 =	sshll.u32 s7, $0x1;
	s4 =	sadd.s32 s19, s18  }
0xa2: {  	s8 =	simm.s32 $0x0;
	s20 =	sshll.u32 s6, $0x1;
	s6 =	sadd.s32 s21, s4  }
0xa3: {  	[timem:s8], [sflag:s22] =	dma.local [hbm:s6], s20  }
0xa4: {  	_ =	swait.ge [sflag:s22], s20  }
0xa5: {  	s5 =	ssub.s32 $0x0, s20;
	[sflag:s22] =	ssyncset.done $0x0  }
0xa6: {  	[sflag:s22] =	ssyncadd.s32 s5;
	_ =	sdelay $0x1  }
0xa7: {  	s23 =	simm.s32 $0x1B8B  }
0xa8: {  	_ =	swait.ge [sflag:s23], $0x1  }
0xa9: {  	[sflag:s23] =	ssyncset.done $0x0  }
0xaa: {  	s25 =	simm.s32 $0x1B8E;
	s24 =	sld [smem:$0x3FFE];
	[sflag:s23] =	ssyncadd.s32 $0xFFFFFFFF  }
0xab: {  	s26 =	simm.s32 $execute0_lowered;
	[smem:$0x3FD2] =	sst s25  }
0xac: {  	s6 =	sshll.u32 s26, $0x1;
	_ =	strace $0x80000046;
	[dreg:$0x1] =	wrdreg $0xFFFFFFFF  }
0xad: {  	s28 =	simm.s32 $_size_execute0_lowered;
	s4 =	sadd.s32 s4, s6;
	[dreg:$0x0] =	wrdreg $0x0  }
0xae: {  	s6 =	sshll.u32 s28, $0x1;
	[dreg:$0x2] =	wrdreg s4  }
0xaf: {  	[dreg:$0x3] =	wrdreg s6  }
0xb0: {  	[dreg:$0x4] =	wrdreg $0xC0  }
0xb1: {  	_ =	task [dreg:s8], $0x5FFFF  }
0xb2: {  	[dreg:$0x1] =	wrdreg $0xFFFFFFFF  }
0xb3: {  	[dreg:$0x0] =	wrdreg $0x60  }
0xb4: {  	[dreg:$0x2] =	wrdreg s15  }
0xb5: {  	[dreg:$0x3] =	wrdreg s24  }
0xb6: {  	[dreg:$0x4] =	wrdreg s16  }
0xb7: {  	[dreg:$0x5] =	wrdreg $0x9  }
0xb8: {  	_ =	task.clear_ibuf [dreg:s8], $0x6FFFF;
	_ =	strace $0x90000046  }
0xb9: {  	s29 =	simm.s32 $0x9;
	_ =	strace $0x80000048  }
0xba: {  	_ =	swait.ge [sflag:s29], $0x1  }
0xbb: {  	[sflag:s29] =	ssyncadd.s32 $0xFFFFFFFF  }
0xbc: {  	_ =	strace $0x90000048  }
0xbd: {  	_ =	sfence  }
0xbe: {  	s30 =	sld [smem:$0x0];
	_ =	sdelay $0x2  }
0xbf: {  	s31 =	sshll.u32 s1, $0xD;
	s1 =	sshrl.u32 s1, $0x2  }
0xc0: {  	s3 =	sand.u32 $0x4000, s31;
	s1 =	sadd.s32 s1, s30  }
0xc1: {  	s0 =	sor.u32 s3, s0;
	s1 =	sshll.u32 s1, $0x11  }
0xc2: {  	s0 =	sor.u32 s1, s0  }
0xc3: {  	s0 =	sadd.s32 $0x8F2B, s0  }
0xc4: {  	[sflag:s0] =	ssyncadd.remote.s32 $0x1  }
0xc5: {  	_ =	sfence.sel $0xFFFF  }
0xc6: {  	[dreg:$0x0] =	wrdreg $0xFFFFFFFF;
	(pc) =	sbr.abs _section_cstart, $3  }
0xc7: {  	[dreg:$0x1] =	wrdreg $0xFFFFFFFF  }
0xc8: {  	_ =	task.clear_ibuf [dreg:s8], $0x2FFFF;
	_ =	strace $0x9FFFFFFF  }
0xc9: {  	(tm) =	ssettm $0x7FFFFFFF  }
tec
execute0_lowered:
.L_overlay_start_1:
0x0: {  	(tag) =	ssettag $0x1  }
0x1: {  	s1 =	rddreg [dreg:$0x0]  }
0x2: {  	s0 =	rddreg [dreg:$0x1];
	s2 =	srdreg.scid  }
0x3: {  	s8 =	stileid.u32;
	s4 =	rddreg [dreg:$0x2];
	s30 =	simm.s32 $0x7800  }
0x4: {  	s28 =	simm.s32 $0x9;
	s29 =	simm.s32 $0x6;
	s31 =	simm.s32 $0xA  }
0x5: {  	s2 =	sand.u32 $0x1, s2;
	s3 =	sshll.u32 s8, $0x1;
	s8 =	sshll.u32 s8, $0xC  }
0x6: {  	s6 =	sor.u32 s2, s3;
	s3 =	simm.s32 $0x0;
	s7 =	ssub.s32 $0x2, s2  }
0x7: {  	s2 =	sshll.u32 s2, $0xB;
	s5 =	sshll.u32 s6, $0xB;
	s24 =	smul.u32 $0x30000, s6  }
0x8: {  	[smem:$0x7FF] =	sst s3;
	s23 =	sshrl.u32 s7, $0x1;
	s9 =	smul.u32 $0x180000, s6  }
0x9: {  	s2 =	sor.u32 s2, s8;
	s6 =	sadd.s32 $0x200, s1;
	s0 =	sadd.s32 s5, s0  }
0xa: {  	_ =	strace $0x80000047;
	s7 =	ssub.s32 s7, s23;
	s5 =	sadd.s32 $0x100, s1  }
0xb: {  	s25 =	sor.u32 $0xB0, s2;
	s15 =	sor.u32 $0xA0, s2;
	s16 =	sor.u32 $0x90, s2  }
0xc: {  	s19 =	sshrl.u32 s2, $0x3;
	s2 =	sor.u32 $0x80, s2;
	s0 =	sadd.s32 $0x800, s0  }
0xd: {  	s10 =	sadd.s32 s4, s24;
	s11 =	sshrl.u32 s9, $0x3;
	s9 =	sshrl.u32 s15, $0x3  }
0xe: {  	s18 =	sshrl.u32 s16, $0x3;
	s2 =	sshrl.u32 s2, $0x3;
	s15 =	simm.s32 $0x1  }
0xf: {  	s16 =	simm.s32 $0xE;
	[dreg:$0x9] =	wrdreg s0;
	s17 =	smul.u32 $0x300, s9  }
0x10: {  	s26 =	sadd.s32 $0x600, s10;
	s12 =	sadd.s32 $0xC00, s10;
	s9 =	smul.u32 $0x300, s18  }
0x11: {  	[dreg:$0xa] =	wrdreg s10;
	s13 =	sadd.s32 $0x1200, s10;
	s10 =	smul.u32 $0x300, s19  }
0x12: {  	s0 =	sshrl.u32 s25, $0x3;
	s8 =	sadd.s32 s4, s11;
	s2 =	smul.u32 $0x300, s2  }
0x13: {  	s19 =	simm.s32 $0x6000;
	s11 =	simm.s32 $0xC;
	[dreg:$0xb] =	wrdreg s26  }
0x14: {  	s18 =	simm.s32 $0xF;
	[dreg:$0xc] =	wrdreg s12;
	s0 =	smul.u32 $0x300, s0  }
0x15: {  	[dreg:$0xd] =	wrdreg s13;
	s14 =	sadd.s32 $0x2E800, s8;
	s21 =	sadd.s32 $0x2EE00, s8  }
0x16: {  	s23 =	sadd.s32 $0x2F400, s8;
	s25 =	sadd.s32 $0x2FA00, s8;
	[dreg:$0xe] =	wrdreg s14  }
0x17: {  	s26 =	smax.u32 s7, $0x1;
	s7 =	simm.s32 $0x5800;
	[dreg:$0xf] =	wrdreg s21  }
0x18: {  	s8 =	simm.s32 $0x7000;
	s13 =	simm.s32 $0x3;
	[dreg:$0x10] =	wrdreg s23  }
0x19: {  	s12 =	simm.s32 $0xD;
	s20 =	sadd.s32 s9, s4;
	[dreg:$0x11] =	wrdreg s25  }
0x1a: {  	s22 =	sadd.s32 s10, s4;
	s24 =	sadd.s32 s2, s4;
	[dreg:$0x12] =	wrdreg s26  }
0x1b: {  	s10 =	simm.s32 $0x4000;
	s9 =	simm.s32 $0x5000;
	s23 =	simm.s32 $0x6800  }
0x1c: {  	s21 =	simm.s32 $0x10000;
	s2 =	simm.s32 $0x2;
	[dreg:$0x6] =	wrdreg s20  }
0x1d: {  	s14 =	simm.s32 $0x19000;
	s26 =	simm.s32 $0x5;
	[dreg:$0x7] =	wrdreg s22  }
0x1e: {  	s25 =	simm.s32 $0x4;
	s0 =	sadd.s32 s0, s4;
	[dreg:$0x8] =	wrdreg s24  }
0x1f: {  	v2 =	vlaneseq.u32;
	s20 =	simm.s32 $0x4800;
	[dreg:$0x4] =	wrdreg s0;
	s0 =	sadd.s32 s17, s4  }
0x20: {  	vm0 =	vmmov $0xffff;
	v1 =	vshrl.u32 v2, $0x3;
	s24 =	simm.s32 $0x13000;
	s17 =	simm.s32 $0x0;
	[dreg:$0x5] =	wrdreg s0  }
0x21: {  	v0 =	vand.u32 $0x7, v2;
	v2 =	vor.u32 $0x8, v2;
	v1 =	vmul.u32 $0x8, v1;
	s22 =	simm.s32 $0x4;
	s0 =	simm.s32 $0x16000;
	[dreg:$0x13] =	wrdreg s17  }
.LBB2_1:
0x22: {  	s17 =	rddreg [dreg:$0x9];
	s4 =	simm.s32 $0x11  }
0x23: {  	[tilespmem:s3], [sflag:$0x11] =	stream.linear.gather [hbm4b:s17+s3], $0x4000, $0x38;
	[tilespmem:$0x1C000] =	vst v63  }
0x24: {  	_ =	swait.ge [sflag:s4], $0x4000  }
0x25: {  	[sflag:s4] =	ssyncset.done $0x0  }
0x26: {  	[sflag:s4] =	ssyncadd.s32 $0xFFFFC000  }
0x27: {  	v3 =	vld [tilespmem:$0x0];
	_ =	sdelay $0x4  }
0x28: {  	v4 =	vshrl.u32 v3, $0x3  }
0x29: {  	v4 =	vmul.u32 $0x30, v4  }
0x2a: {  	v3 =	vand.u32 $0x7, v3  }
0x2b: {  	v3 =	vor.u32 v3, v4  }
0x2c: {  	v4 =	vperm.xlane v3, v0;
	_ =	sdelay $0x1  }
0x2d: {  	v4 =	vadd.s32 v1, v4;
	_ =	sdelay $0x3  }
0x2e: {  	v3 =	vperm.xlane v3, v2  }
0x2f: {  	[tilespmem:s10], [sflag:$0x1] =	stream.indirect_vreg.gather [hbm4b:s1+s3], $0x80, v4, vm0, $0xb8;
	[tilespmem:$0x1C000] =	vst v63  }
0x30: {  	v3 =	vadd.s32 v1, v3  }
0x31: {  	[tilespmem:s20], [sflag:$0x1] =	stream.indirect_vreg.gather [hbm4b:s5+s3], $0x80, v4, vm0, $0xb8;
	[tilespmem:$0x1C000] =	vst v63  }
0x32: {  	_ = 	snop  }
0x33: {  	[tilespmem:s9], [sflag:$0x1] =	stream.indirect_vreg.gather [hbm4b:s6+s3], $0x80, v4, vm0, $0xb8;
	[tilespmem:$0x1C000] =	vst v63  }
0x34: {  	_ = 	snop  }
0x35: {  	[tilespmem:s7], [sflag:$0x1] =	stream.indirect_vreg.gather [hbm4b:s1+s3], $0x80, v3, vm0, $0xb8;
	[tilespmem:$0x1C000] =	vst v63  }
0x36: {  	_ = 	snop  }
0x37: {  	[tilespmem:s19], [sflag:$0x1] =	stream.indirect_vreg.gather [hbm4b:s5+s3], $0x80, v3, vm0, $0xb8;
	[tilespmem:$0x1C000] =	vst v63  }
0x38: {  	_ = 	snop  }
0x39: {  	[tilespmem:s23], [sflag:$0x1] =	stream.indirect_vreg.gather [hbm4b:s6+s3], $0x80, v3, vm0, $0xb8;
	[tilespmem:$0x1C000] =	vst v63  }
0x3a: {  	v3 =	vld [tilespmem:$0x80];
	_ =	sdelay $0x4  }
0x3b: {  	v57 =	vshrl.u32 v3, $0x3  }
0x3c: {  	v4 =	vmul.u32 $0x30, v57  }
0x3d: {  	v3 =	vand.u32 $0x7, v3  }
0x3e: {  	v3 =	vor.u32 v3, v4  }
0x3f: {  	v4 =	vperm.xlane v3, v0;
	_ =	sdelay $0x1  }
0x40: {  	v4 =	vadd.s32 v1, v4;
	_ =	sdelay $0x3  }
0x41: {  	v3 =	vperm.xlane v3, v2  }
0x42: {  	[tilespmem:s8], [sflag:$0x2] =	stream.indirect_vreg.gather [hbm4b:s1+s3], $0x80, v4, vm0, $0xb8;
	[tilespmem:$0x1C000] =	vst v63  }
0x43: {  	v3 =	vadd.s32 v1, v3  }
0x44: {  	[tilespmem:s30], [sflag:$0x2] =	stream.indirect_vreg.gather [hbm4b:s5+s3], $0x80, v4, vm0, $0xb8;
	[tilespmem:$0x1C000] =	vst v63  }
0x45: {  	s19 =	simm.s32 $0x8000  }
0x46: {  	[tilespmem:s19], [sflag:$0x2] =	stream.indirect_vreg.gather [hbm4b:s6+s3], $0x80, v4, vm0, $0xb8;
	[tilespmem:$0x1C000] =	vst v63  }
0x47: {  	s20 =	simm.s32 $0x8800  }
0x48: {  	[tilespmem:s20], [sflag:$0x2] =	stream.indirect_vreg.gather [hbm4b:s1+s3], $0x80, v3, vm0, $0xb8;
	[tilespmem:$0x1C000] =	vst v63  }
0x49: {  	s23 =	simm.s32 $0x9000  }
0x4a: {  	[tilespmem:s23], [sflag:$0x2] =	stream.indirect_vreg.gather [hbm4b:s5+s3], $0x80, v3, vm0, $0xb8;
	[tilespmem:$0x1C000] =	vst v63  }
0x4b: {  	s30 =	simm.s32 $0x9800  }
0x4c: {  	[tilespmem:s30], [sflag:$0x2] =	stream.indirect_vreg.gather [hbm4b:s6+s3], $0x80, v3, vm0, $0xb8;
	[tilespmem:$0x1C000] =	vst v63  }
0x4d: {  	v3 =	vld [tilespmem:$0x100];
	_ =	sdelay $0x4  }
0x4e: {  	v58 =	vshrl.u32 v3, $0x3  }
0x4f: {  	v4 =	vmul.u32 $0x30, v58  }
0x50: {  	v3 =	vand.u32 $0x7, v3  }
0x51: {  	v3 =	vor.u32 v3, v4  }
0x52: {  	v4 =	vperm.xlane v3, v0;
	_ =	sdelay $0x1  }
0x53: {  	v4 =	vadd.s32 v1, v4;
	_ =	sdelay $0x3  }
0x54: {  	s7 =	simm.s32 $0xA000;
	v3 =	vperm.xlane v3, v2  }
0x55: {  	[tilespmem:s7], [sflag:$0x3] =	stream.indirect_vreg.gather [hbm4b:s1+s3], $0x80, v4, vm0, $0xb8;
	[tilespmem:$0x1C000] =	vst v63  }
0x56: {  	s4 =	simm.s32 $0xA800;
	v3 =	vadd.s32 v1, v3  }
0x57: {  	[tilespmem:s4], [sflag:$0x3] =	stream.indirect_vreg.gather [hbm4b:s5+s3], $0x80, v4, vm0, $0xb8;
	[tilespmem:$0x1C000] =	vst v63  }
0x58: {  	s17 =	simm.s32 $0xB000  }
0x59: {  	[tilespmem:s17], [sflag:$0x3] =	stream.indirect_vreg.gather [hbm4b:s6+s3], $0x80, v4, vm0, $0xb8;
	[tilespmem:$0x1C000] =	vst v63  }
0x5a: {  	s19 =	simm.s32 $0xB800  }
0x5b: {  	[tilespmem:s19], [sflag:$0x3] =	stream.indirect_vreg.gather [hbm4b:s1+s3], $0x80, v3, vm0, $0xb8;
	[tilespmem:$0x1C000] =	vst v63  }
0x5c: {  	s20 =	simm.s32 $0xC000  }
0x5d: {  	[tilespmem:s20], [sflag:$0x3] =	stream.indirect_vreg.gather [hbm4b:s5+s3], $0x80, v3, vm0, $0xb8;
	[tilespmem:$0x1C000] =	vst v63  }
0x5e: {  	s23 =	simm.s32 $0xC800  }
0x5f: {  	[tilespmem:s23], [sflag:$0x3] =	stream.indirect_vreg.gather [hbm4b:s6+s3], $0x80, v3, vm0, $0xb8;
	[tilespmem:$0x1C000] =	vst v63  }
0x60: {  	v3 =	vld [tilespmem:$0x180];
	_ =	sdelay $0x4  }
0x61: {  	v59 =	vshrl.u32 v3, $0x3  }
0x62: {  	v4 =	vmul.u32 $0x30, v59  }
0x63: {  	v3 =	vand.u32 $0x7, v3  }
0x64: {  	v3 =	vor.u32 v3, v4  }
0x65: {  	v4 =	vperm.xlane v3, v0;
	_ =	sdelay $0x1  }
0x66: {  	v4 =	vadd.s32 v1, v4;
	_ =	sdelay $0x3  }
0x67: {  	s9 =	simm.s32 $0xD000;
	v3 =	vperm.xlane v3, v2  }
0x68: {  	[tilespmem:s9], [sflag:$0x4] =	stream.indirect_vreg.gather [hbm4b:s1+s3], $0x80, v4, vm0, $0xb8;
	[tilespmem:$0x1C000] =	vst v63  }
0x69: {  	s4 =	simm.s32 $0xD800;
	v3 =	vadd.s32 v1, v3  }
0x6a: {  	[tilespmem:s4], [sflag:$0x4] =	stream.indirect_vreg.gather [hbm4b:s5+s3], $0x80, v4, vm0, $0xb8;
	[tilespmem:$0x1C000] =	vst v63  }
0x6b: {  	s30 =	simm.s32 $0xE000  }
0x6c: {  	[tilespmem:s30], [sflag:$0x4] =	stream.indirect_vreg.gather [hbm4b:s6+s3], $0x80, v4, vm0, $0xb8;
	[tilespmem:$0x1C000] =	vst v63  }
0x6d: {  	s17 =	simm.s32 $0xE800  }
0x6e: {  	[tilespmem:s17], [sflag:$0x4] =	stream.indirect_vreg.gather [hbm4b:s1+s3], $0x80, v3, vm0, $0xb8;
	[tilespmem:$0x1C000] =	vst v63  }
0x6f: {  	s19 =	simm.s32 $0xF000  }
0x70: {  	[tilespmem:s19], [sflag:$0x4] =	stream.indirect_vreg.gather [hbm4b:s5+s3], $0x80, v3, vm0, $0xb8;
	[tilespmem:$0x1C000] =	vst v63  }
0x71: {  	s20 =	simm.s32 $0xF800  }
0x72: {  	[tilespmem:s20], [sflag:$0x4] =	stream.indirect_vreg.gather [hbm4b:s6+s3], $0x80, v3, vm0, $0xb8;
	[tilespmem:$0x1C000] =	vst v63  }
0x73: {  	_ =	swait.ge [sflag:s15], $0x3000  }
0x74: {  	[sflag:s15] =	ssyncset.done $0x0  }
0x75: {  	s23 =	rddreg [dreg:$0xa];
	[sflag:s15] =	ssyncadd.s32 $0xFFFFD000  }
0x76: {  	[hbm4b:s23+s3] =	stream.linear.scatter [tilespmem:s10], [sflag:$0x9], $0x3000, $0x38;
	[tilespmem:$0x1C000] =	vst v63  }
0x77: {  	v3 =	vld [tilespmem:$0x200];
	_ =	sdelay $0x4  }
0x78: {  	v60 =	vshrl.u32 v3, $0x3  }
0x79: {  	v4 =	vmul.u32 $0x30, v60  }
0x7a: {  	v3 =	vand.u32 $0x7, v3  }
0x7b: {  	v3 =	vor.u32 v3, v4  }
0x7c: {  	v4 =	vperm.xlane v3, v0;
	_ =	sdelay $0x1  }
0x7d: {  	v4 =	vadd.s32 v1, v4;
	_ =	sdelay $0x3  }
0x7e: {  	v3 =	vperm.xlane v3, v2  }
0x7f: {  	[tilespmem:s21], [sflag:$0x5] =	stream.indirect_vreg.gather [hbm4b:s1+s3], $0x80, v4, vm0, $0xb8;
	[tilespmem:$0x1C000] =	vst v63  }
0x80: {  	s30 =	simm.s32 $0x10800;
	v3 =	vadd.s32 v1, v3  }
0x81: {  	[tilespmem:s30], [sflag:$0x5] =	stream.indirect_vreg.gather [hbm4b:s5+s3], $0x80, v4, vm0, $0xb8;
	[tilespmem:$0x1C000] =	vst v63  }
0x82: {  	s10 =	simm.s32 $0x11000  }
0x83: {  	[tilespmem:s10], [sflag:$0x5] =	stream.indirect_vreg.gather [hbm4b:s6+s3], $0x80, v4, vm0, $0xb8;
	[tilespmem:$0x1C000] =	vst v63  }
0x84: {  	s15 =	simm.s32 $0x11800  }
0x85: {  	[tilespmem:s15], [sflag:$0x5] =	stream.indirect_vreg.gather [hbm4b:s1+s3], $0x80, v3, vm0, $0xb8;
	[tilespmem:$0x1C000] =	vst v63  }
0x86: {  	s17 =	simm.s32 $0x12000  }
0x87: {  	[tilespmem:s17], [sflag:$0x5] =	stream.indirect_vreg.gather [hbm4b:s5+s3], $0x80, v3, vm0, $0xb8;
	[tilespmem:$0x1C000] =	vst v63  }
0x88: {  	s19 =	simm.s32 $0x12800  }
0x89: {  	[tilespmem:s19], [sflag:$0x5] =	stream.indirect_vreg.gather [hbm4b:s6+s3], $0x80, v3, vm0, $0xb8;
	[tilespmem:$0x1C000] =	vst v63  }
0x8a: {  	_ =	swait.ge [sflag:s2], $0x3000  }
0x8b: {  	[sflag:s2] =	ssyncset.done $0x0  }
0x8c: {  	s20 =	rddreg [dreg:$0xb];
	[sflag:s2] =	ssyncadd.s32 $0xFFFFD000  }
0x8d: {  	[hbm4b:s20+s3] =	stream.linear.scatter [tilespmem:s8], [sflag:$0xA], $0x3000, $0x38;
	[tilespmem:$0x1C000] =	vst v63  }
0x8e: {  	v3 =	vld [tilespmem:$0x280];
	_ =	sdelay $0x4  }
0x8f: {  	v61 =	vshrl.u32 v3, $0x3  }
0x90: {  	v4 =	vmul.u32 $0x30, v61  }
0x91: {  	v3 =	vand.u32 $0x7, v3  }
0x92: {  	v3 =	vor.u32 v3, v4  }
0x93: {  	v4 =	vperm.xlane v3, v0;
	_ =	sdelay $0x1  }
0x94: {  	v4 =	vadd.s32 v1, v4;
	_ =	sdelay $0x3  }
0x95: {  	v3 =	vperm.xlane v3, v2  }
0x96: {  	[tilespmem:s24], [sflag:$0x6] =	stream.indirect_vreg.gather [hbm4b:s1+s3], $0x80, v4, vm0, $0xb8;
	[tilespmem:$0x1C000] =	vst v63  }
0x97: {  	s21 =	simm.s32 $0x13800;
	v3 =	vadd.s32 v1, v3  }
0x98: {  	[tilespmem:s21], [sflag:$0x6] =	stream.indirect_vreg.gather [hbm4b:s5+s3], $0x80, v4, vm0, $0xb8;
	[tilespmem:$0x1C000] =	vst v63  }
0x99: {  	s23 =	simm.s32 $0x14000  }
0x9a: {  	[tilespmem:s23], [sflag:$0x6] =	stream.indirect_vreg.gather [hbm4b:s6+s3], $0x80, v4, vm0, $0xb8;
	[tilespmem:$0x1C000] =	vst v63  }
0x9b: {  	s24 =	simm.s32 $0x14800  }
0x9c: {  	[tilespmem:s24], [sflag:$0x6] =	stream.indirect_vreg.gather [hbm4b:s1+s3], $0x80, v3, vm0, $0xb8;
	[tilespmem:$0x1C000] =	vst v63  }
0x9d: {  	s30 =	simm.s32 $0x15000  }
0x9e: {  	[tilespmem:s30], [sflag:$0x6] =	stream.indirect_vreg.gather [hbm4b:s5+s3], $0x80, v3, vm0, $0xb8;
	[tilespmem:$0x1C000] =	vst v63  }
0x9f: {  	s4 =	simm.s32 $0x15800  }
0xa0: {  	[tilespmem:s4], [sflag:$0x6] =	stream.indirect_vreg.gather [hbm4b:s6+s3], $0x80, v3, vm0, $0xb8;
	[tilespmem:$0x1C000] =	vst v63  }
0xa1: {  	_ =	swait.ge [sflag:s13], $0x3000  }
0xa2: {  	[sflag:s13] =	ssyncset.done $0x0  }
0xa3: {  	s8 =	rddreg [dreg:$0xc];
	[sflag:s13] =	ssyncadd.s32 $0xFFFFD000  }
0xa4: {  	[hbm4b:s8+s3] =	stream.linear.scatter [tilespmem:s7], [sflag:$0xB], $0x3000, $0x38;
	[tilespmem:$0x1C000] =	vst v63  }
0xa5: {  	v3 =	vld [tilespmem:$0x300];
	_ =	sdelay $0x4  }
0xa6: {  	v62 =	vshrl.u32 v3, $0x3  }
0xa7: {  	v4 =	vmul.u32 $0x30, v62  }
0xa8: {  	v3 =	vand.u32 $0x7, v3  }
0xa9: {  	v3 =	vor.u32 v3, v4  }
0xaa: {  	v4 =	vperm.xlane v3, v0;
	_ =	sdelay $0x1  }
0xab: {  	v4 =	vadd.s32 v1, v4;
	_ =	sdelay $0x3  }
0xac: {  	v3 =	vperm.xlane v3, v2  }
0xad: {  	[tilespmem:s0], [sflag:$0x7] =	stream.indirect_vreg.gather [hbm4b:s1+s3], $0x80, v4, vm0, $0xb8;
	[tilespmem:$0x1C000] =	vst v63  }
0xae: {  	s10 =	simm.s32 $0x16800;
	v3 =	vadd.s32 v1, v3  }
0xaf: {  	[tilespmem:s10], [sflag:$0x7] =	stream.indirect_vreg.gather [hbm4b:s5+s3], $0x80, v4, vm0, $0xb8;
	[tilespmem:$0x1C000] =	vst v63  }
0xb0: {  	s13 =	simm.s32 $0x17000  }
0xb1: {  	[tilespmem:s13], [sflag:$0x7] =	stream.indirect_vreg.gather [hbm4b:s6+s3], $0x80, v4, vm0, $0xb8;
	[tilespmem:$0x1C000] =	vst v63  }
0xb2: {  	s15 =	simm.s32 $0x17800  }
0xb3: {  	[tilespmem:s15], [sflag:$0x7] =	stream.indirect_vreg.gather [hbm4b:s1+s3], $0x80, v3, vm0, $0xb8;
	[tilespmem:$0x1C000] =	vst v63  }
0xb4: {  	s17 =	simm.s32 $0x18000  }
0xb5: {  	[tilespmem:s17], [sflag:$0x7] =	stream.indirect_vreg.gather [hbm4b:s5+s3], $0x80, v3, vm0, $0xb8;
	[tilespmem:$0x1C000] =	vst v63  }
0xb6: {  	s19 =	simm.s32 $0x18800  }
0xb7: {  	[tilespmem:s19], [sflag:$0x7] =	stream.indirect_vreg.gather [hbm4b:s6+s3], $0x80, v3, vm0, $0xb8;
	[tilespmem:$0x1C000] =	vst v63  }
0xb8: {  	_ =	swait.ge [sflag:s22], $0x3000  }
0xb9: {  	[sflag:s22] =	ssyncset.done $0x0  }
0xba: {  	s20 =	rddreg [dreg:$0xd];
	[sflag:s22] =	ssyncadd.s32 $0xFFFFD000  }
0xbb: {  	[hbm4b:s20+s3] =	stream.linear.scatter [tilespmem:s9], [sflag:$0xC], $0x3000, $0x38;
	[tilespmem:$0x1C000] =	vst v63  }
0xbc: {  	v3 =	vld [tilespmem:$0x380];
	_ =	sdelay $0x4  }
0xbd: {  	v63 =	vshrl.u32 v3, $0x3  }
0xbe: {  	v4 =	vmul.u32 $0x30, v63  }
0xbf: {  	v3 =	vand.u32 $0x7, v3  }
0xc0: {  	v3 =	vor.u32 v3, v4  }
0xc1: {  	v4 =	vperm.xlane v3, v0;
	_ =	sdelay $0x1  }
0xc2: {  	v4 =	vadd.s32 v1, v4;
	_ =	sdelay $0x3  }
0xc3: {  	v3 =	vperm.xlane v3, v2  }
0xc4: {  	[tilespmem:s14], [sflag:$0x8] =	stream.indirect_vreg.gather [hbm4b:s1+s3], $0x80, v4, vm0, $0xb8;
	[tilespmem:$0x1C000] =	vst v63  }
0xc5: {  	s21 =	simm.s32 $0x19800;
	v3 =	vadd.s32 v1, v3  }
0xc6: {  	[tilespmem:s21], [sflag:$0x8] =	stream.indirect_vreg.gather [hbm4b:s5+s3], $0x80, v4, vm0, $0xb8;
	[tilespmem:$0x1C000] =	vst v63  }
0xc7: {  	s2 =	simm.s32 $0x2;
	s23 =	simm.s32 $0x1A800;
	s22 =	simm.s32 $0x1A000  }
0xc8: {  	[tilespmem:s22], [sflag:$0x8] =	stream.indirect_vreg.gather [hbm4b:s6+s3], $0x80, v4, vm0, $0xb8;
	[tilespmem:$0x1C000] =	vst v63  }
0xc9: {  	s24 =	simm.s32 $0x1B000;
	s30 =	simm.s32 $0x1B800;
	s4 =	simm.s32 $0x7  }
0xca: {  	[tilespmem:s23], [sflag:$0x8] =	stream.indirect_vreg.gather [hbm4b:s1+s3], $0x80, v3, vm0, $0xb8;
	[tilespmem:$0x1C000] =	vst v63  }
0xcb: {  	s8 =	simm.s32 $0xB;
	s10 =	simm.s32 $0x8;
	s13 =	simm.s32 $0x3  }
0xcc: {  	[tilespmem:s24], [sflag:$0x8] =	stream.indirect_vreg.gather [hbm4b:s5+s3], $0x80, v3, vm0, $0xb8;
	[tilespmem:$0x1C000] =	vst v63  }
0xcd: {  	s19 =	simm.s32 $0x780;
	s20 =	simm.s32 $0x0;
	s9 =	simm.s32 $0x1  }
0xce: {  	[tilespmem:s30], [sflag:$0x8] =	stream.indirect_vreg.gather [hbm4b:s6+s3], $0x80, v3, vm0, $0xb8;
	[tilespmem:$0x1C000] =	vst v63  }
.LBB2_2:
0xcf: {  	_ =	swait.ge [sflag:s26], $0x3000  }
0xd0: {  	s21 =	rddreg [dreg:$0x7]  }
0xd1: {  	[sflag:s26] =	ssyncset.done $0x0;
	s21 =	sadd.s32 s20, s21  }
0xd2: {  	s24 =	simm.s32 $0x10000;
	[sflag:s26] =	ssyncadd.s32 $0xFFFFD000;
	s17 =	sadd.s32 $0x1800, s21  }
0xd3: {  	[hbm4b:s17+s3] =	stream.linear.scatter [tilespmem:s24], [sflag:$0xD], $0x3000, $0x38;
	[tilespmem:$0x1C000] =	vst v63  }
0xd4: {  	_ =	swait.ge [sflag:s28], $0x3000  }
0xd5: {  	[sflag:s28] =	ssyncset.done $0x0  }
0xd6: {  	[sflag:s28] =	ssyncadd.s32 $0xFFFFD000  }
0xd7: {  	v3 =	vld [tilespmem:s19+$0xFFFFFC80];
	_ =	sdelay $0x4  }
0xd8: {  	v4 =	vshrl.u32 v3, $0x3  }
0xd9: {  	v4 =	vmul.u32 $0x30, v4  }
0xda: {  	v3 =	vand.u32 $0x7, v3  }
0xdb: {  	v3 =	vor.u32 v3, v4  }
0xdc: {  	v4 =	vperm.xlane v3, v0;
	_ =	sdelay $0x1  }
0xdd: {  	v4 =	vadd.s32 v1, v4;
	_ =	sdelay $0x3  }
0xde: {  	s30 =	simm.s32 $0x4000;
	v3 =	vperm.xlane v3, v2  }
0xdf: {  	[tilespmem:s30], [sflag:$0x1] =	stream.indirect_vreg.gather [hbm4b:s1+s3], $0x80, v4, vm0, $0xb8;
	[tilespmem:$0x1C000] =	vst v63  }
0xe0: {  	s0 =	simm.s32 $0x4800;
	v3 =	vadd.s32 v1, v3  }
0xe1: {  	[tilespmem:s0], [sflag:$0x1] =	stream.indirect_vreg.gather [hbm4b:s5+s3], $0x80, v4, vm0, $0xb8;
	[tilespmem:$0x1C000] =	vst v63  }
0xe2: {  	s17 =	simm.s32 $0x5000  }
0xe3: {  	[tilespmem:s17], [sflag:$0x1] =	stream.indirect_vreg.gather [hbm4b:s6+s3], $0x80, v4, vm0, $0xb8;
	[tilespmem:$0x1C000] =	vst v63  }
0xe4: {  	s22 =	simm.s32 $0x5800  }
0xe5: {  	[tilespmem:s22], [sflag:$0x1] =	stream.indirect_vreg.gather [hbm4b:s1+s3], $0x80, v3, vm0, $0xb8;
	[tilespmem:$0x1C000] =	vst v63  }
0xe6: {  	s23 =	simm.s32 $0x6000  }
0xe7: {  	[tilespmem:s23], [sflag:$0x1] =	stream.indirect_vreg.gather [hbm4b:s5+s3], $0x80, v3, vm0, $0xb8;
	[tilespmem:$0x1C000] =	vst v63  }
0xe8: {  	s7 =	simm.s32 $0x6800  }
0xe9: {  	[tilespmem:s7], [sflag:$0x1] =	stream.indirect_vreg.gather [hbm4b:s6+s3], $0x80, v3, vm0, $0xb8;
	[tilespmem:$0x1C000] =	vst v63  }
0xea: {  	_ =	swait.ge [sflag:s29], $0x3000  }
0xeb: {  	[sflag:s29] =	ssyncset.done $0x0  }
0xec: {  	s14 =	sadd.s32 $0x1E00, s21;
	s0 =	simm.s32 $0x13000;
	[sflag:s29] =	ssyncadd.s32 $0xFFFFD000  }
0xed: {  	[hbm4b:s14+s3] =	stream.linear.scatter [tilespmem:s0], [sflag:$0xE], $0x3000, $0x38;
	[tilespmem:$0x1C000] =	vst v63  }
0xee: {  	_ =	swait.ge [sflag:s31], $0x3000  }
0xef: {  	[sflag:s31] =	ssyncset.done $0x0  }
0xf0: {  	[sflag:s31] =	ssyncadd.s32 $0xFFFFD000  }
0xf1: {  	v3 =	vld [tilespmem:s19+$0xFFFFFD00];
	_ =	sdelay $0x4  }
0xf2: {  	v57 =	vshrl.u32 v3, $0x3  }
0xf3: {  	v4 =	vmul.u32 $0x30, v57  }
0xf4: {  	v3 =	vand.u32 $0x7, v3  }
0xf5: {  	v3 =	vor.u32 v3, v4  }
0xf6: {  	v4 =	vperm.xlane v3, v0;
	_ =	sdelay $0x1  }
0xf7: {  	v4 =	vadd.s32 v1, v4;
	_ =	sdelay $0x3  }
0xf8: {  	s23 =	simm.s32 $0x7000;
	v3 =	vperm.xlane v3, v2  }
0xf9: {  	[tilespmem:s23], [sflag:$0x2] =	stream.indirect_vreg.gather [hbm4b:s1+s3], $0x80, v4, vm0, $0xb8;
	[tilespmem:$0x1C000] =	vst v63  }
0xfa: {  	s7 =	simm.s32 $0x7800;
	v3 =	vadd.s32 v1, v3  }
0xfb: {  	[tilespmem:s7], [sflag:$0x2] =	stream.indirect_vreg.gather [hbm4b:s5+s3], $0x80, v4, vm0, $0xb8;
	[tilespmem:$0x1C000] =	vst v63  }
0xfc: {  	s15 =	simm.s32 $0x8000  }
0xfd: {  	[tilespmem:s15], [sflag:$0x2] =	stream.indirect_vreg.gather [hbm4b:s6+s3], $0x80, v4, vm0, $0xb8;
	[tilespmem:$0x1C000] =	vst v63  }
0xfe: {  	s17 =	simm.s32 $0x8800  }
0xff: {  	[tilespmem:s17], [sflag:$0x2] =	stream.indirect_vreg.gather [hbm4b:s1+s3], $0x80, v3, vm0, $0xb8;
	[tilespmem:$0x1C000] =	vst v63  }
0x100: {  	s22 =	simm.s32 $0x9000  }
0x101: {  	[tilespmem:s22], [sflag:$0x2] =	stream.indirect_vreg.gather [hbm4b:s5+s3], $0x80, v3, vm0, $0xb8;
	[tilespmem:$0x1C000] =	vst v63  }
0x102: {  	s14 =	simm.s32 $0x9800  }
0x103: {  	[tilespmem:s14], [sflag:$0x2] =	stream.indirect_vreg.gather [hbm4b:s6+s3], $0x80, v3, vm0, $0xb8;
	[tilespmem:$0x1C000] =	vst v63  }
0x104: {  	_ =	swait.ge [sflag:s4], $0x3000  }
0x105: {  	[sflag:s4] =	ssyncset.done $0x0  }
0x106: {  	s15 =	sadd.s32 $0x2400, s21;
	s14 =	simm.s32 $0x16000;
	[sflag:s4] =	ssyncadd.s32 $0xFFFFD000  }
0x107: {  	[hbm4b:s15+s3] =	stream.linear.scatter [tilespmem:s14], [sflag:$0xF], $0x3000, $0x38;
	[tilespmem:$0x1C000] =	vst v63  }
0x108: {  	_ =	swait.ge [sflag:s8], $0x3000  }
0x109: {  	[sflag:s8] =	ssyncset.done $0x0  }
0x10a: {  	[sflag:s8] =	ssyncadd.s32 $0xFFFFD000  }
0x10b: {  	v3 =	vld [tilespmem:s19+$0xFFFFFD80];
	_ =	sdelay $0x4  }
0x10c: {  	v58 =	vshrl.u32 v3, $0x3  }
0x10d: {  	v4 =	vmul.u32 $0x30, v58  }
0x10e: {  	v3 =	vand.u32 $0x7, v3  }
0x10f: {  	v3 =	vor.u32 v3, v4  }
0x110: {  	v4 =	vperm.xlane v3, v0;
	_ =	sdelay $0x1  }
0x111: {  	v4 =	vadd.s32 v1, v4;
	_ =	sdelay $0x3  }
0x112: {  	s15 =	simm.s32 $0xA000;
	v3 =	vperm.xlane v3, v2  }
0x113: {  	[tilespmem:s15], [sflag:$0x3] =	stream.indirect_vreg.gather [hbm4b:s1+s3], $0x80, v4, vm0, $0xb8;
	[tilespmem:$0x1C000] =	vst v63  }
0x114: {  	s17 =	simm.s32 $0xA800;
	v3 =	vadd.s32 v1, v3  }
0x115: {  	[tilespmem:s17], [sflag:$0x3] =	stream.indirect_vreg.gather [hbm4b:s5+s3], $0x80, v4, vm0, $0xb8;
	[tilespmem:$0x1C000] =	vst v63  }
0x116: {  	s22 =	simm.s32 $0xB000  }
0x117: {  	[tilespmem:s22], [sflag:$0x3] =	stream.indirect_vreg.gather [hbm4b:s6+s3], $0x80, v4, vm0, $0xb8;
	[tilespmem:$0x1C000] =	vst v63  }
0x118: {  	s17 =	simm.s32 $0xB800  }
0x119: {  	[tilespmem:s17], [sflag:$0x3] =	stream.indirect_vreg.gather [hbm4b:s1+s3], $0x80, v3, vm0, $0xb8;
	[tilespmem:$0x1C000] =	vst v63  }
0x11a: {  	s22 =	simm.s32 $0xC000  }
0x11b: {  	[tilespmem:s22], [sflag:$0x3] =	stream.indirect_vreg.gather [hbm4b:s5+s3], $0x80, v3, vm0, $0xb8;
	[tilespmem:$0x1C000] =	vst v63  }
0x11c: {  	s17 =	simm.s32 $0xC800  }
0x11d: {  	[tilespmem:s17], [sflag:$0x3] =	stream.indirect_vreg.gather [hbm4b:s6+s3], $0x80, v3, vm0, $0xb8;
	[tilespmem:$0x1C000] =	vst v63  }
0x11e: {  	_ =	swait.ge [sflag:s10], $0x3000  }
0x11f: {  	[sflag:s10] =	ssyncset.done $0x0  }
0x120: {  	s7 =	simm.s32 $0x19000;
	s22 =	sadd.s32 $0x2A00, s21;
	[sflag:s10] =	ssyncadd.s32 $0xFFFFD000  }
0x121: {  	[hbm4b:s22+s3] =	stream.linear.scatter [tilespmem:s7], [sflag:$0x10], $0x3000, $0x38;
	[tilespmem:$0x1C000] =	vst v63  }
0x122: {  	_ =	swait.ge [sflag:s11], $0x3000  }
0x123: {  	[sflag:s11] =	ssyncset.done $0x0  }
0x124: {  	[sflag:s11] =	ssyncadd.s32 $0xFFFFD000  }
0x125: {  	v3 =	vld [tilespmem:s19+$0xFFFFFE00];
	_ =	sdelay $0x4  }
0x126: {  	v59 =	vshrl.u32 v3, $0x3  }
0x127: {  	v4 =	vmul.u32 $0x30, v59  }
0x128: {  	v3 =	vand.u32 $0x7, v3  }
0x129: {  	v3 =	vor.u32 v3, v4  }
0x12a: {  	v4 =	vperm.xlane v3, v0;
	_ =	sdelay $0x1  }
0x12b: {  	v4 =	vadd.s32 v1, v4;
	_ =	sdelay $0x3  }
0x12c: {  	s22 =	simm.s32 $0xD000;
	v3 =	vperm.xlane v3, v2  }
0x12d: {  	[tilespmem:s22], [sflag:$0x4] =	stream.indirect_vreg.gather [hbm4b:s1+s3], $0x80, v4, vm0, $0xb8;
	[tilespmem:$0x1C000] =	vst v63  }
0x12e: {  	s21 =	simm.s32 $0xD800;
	v3 =	vadd.s32 v1, v3  }
0x12f: {  	[tilespmem:s21], [sflag:$0x4] =	stream.indirect_vreg.gather [hbm4b:s5+s3], $0x80, v4, vm0, $0xb8;
	[tilespmem:$0x1C000] =	vst v63  }
0x130: {  	s21 =	simm.s32 $0xE000  }
0x131: {  	[tilespmem:s21], [sflag:$0x4] =	stream.indirect_vreg.gather [hbm4b:s6+s3], $0x80, v4, vm0, $0xb8;
	[tilespmem:$0x1C000] =	vst v63  }
0x132: {  	s21 =	simm.s32 $0xE800  }
0x133: {  	[tilespmem:s21], [sflag:$0x4] =	stream.indirect_vreg.gather [hbm4b:s1+s3], $0x80, v3, vm0, $0xb8;
	[tilespmem:$0x1C000] =	vst v63  }
0x134: {  	s21 =	simm.s32 $0xF000  }
0x135: {  	[tilespmem:s21], [sflag:$0x4] =	stream.indirect_vreg.gather [hbm4b:s5+s3], $0x80, v3, vm0, $0xb8;
	[tilespmem:$0x1C000] =	vst v63  }
0x136: {  	s21 =	simm.s32 $0xF800  }
0x137: {  	[tilespmem:s21], [sflag:$0x4] =	stream.indirect_vreg.gather [hbm4b:s6+s3], $0x80, v3, vm0, $0xb8;
	[tilespmem:$0x1C000] =	vst v63  }
0x138: {  	_ =	swait.ge [sflag:s9], $0x3000  }
0x139: {  	s21 =	rddreg [dreg:$0x8];
	[sflag:s9] =	ssyncset.done $0x0  }
0x13a: {  	[sflag:s9] =	ssyncadd.s32 $0xFFFFD000;
	s17 =	sadd.s32 s20, s21  }
0x13b: {  	[hbm4b:s17+s3] =	stream.linear.scatter [tilespmem:s30], [sflag:$0x9], $0x3000, $0x38;
	[tilespmem:$0x1C000] =	vst v63  }
0x13c: {  	_ =	swait.ge [sflag:s12], $0x3000  }
0x13d: {  	[sflag:s12] =	ssyncset.done $0x0  }
0x13e: {  	[sflag:s12] =	ssyncadd.s32 $0xFFFFD000  }
0x13f: {  	v3 =	vld [tilespmem:s19+$0xFFFFFE80];
	_ =	sdelay $0x4  }
0x140: {  	v60 =	vshrl.u32 v3, $0x3  }
0x141: {  	v4 =	vmul.u32 $0x30, v60  }
0x142: {  	v3 =	vand.u32 $0x7, v3  }
0x143: {  	v3 =	vor.u32 v3, v4  }
0x144: {  	v4 =	vperm.xlane v3, v0;
	_ =	sdelay $0x1  }
0x145: {  	v4 =	vadd.s32 v1, v4;
	_ =	sdelay $0x3  }
0x146: {  	v3 =	vperm.xlane v3, v2  }
0x147: {  	[tilespmem:s24], [sflag:$0x5] =	stream.indirect_vreg.gather [hbm4b:s1+s3], $0x80, v4, vm0, $0xb8;
	[tilespmem:$0x1C000] =	vst v63  }
0x148: {  	v3 =	vadd.s32 v1, v3;
	s24 =	simm.s32 $0x10800  }
0x149: {  	[tilespmem:s24], [sflag:$0x5] =	stream.indirect_vreg.gather [hbm4b:s5+s3], $0x80, v4, vm0, $0xb8;
	[tilespmem:$0x1C000] =	vst v63  }
0x14a: {  	s30 =	simm.s32 $0x11000  }
0x14b: {  	[tilespmem:s30], [sflag:$0x5] =	stream.indirect_vreg.gather [hbm4b:s6+s3], $0x80, v4, vm0, $0xb8;
	[tilespmem:$0x1C000] =	vst v63  }
0x14c: {  	s24 =	simm.s32 $0x11800  }
0x14d: {  	[tilespmem:s24], [sflag:$0x5] =	stream.indirect_vreg.gather [hbm4b:s1+s3], $0x80, v3, vm0, $0xb8;
	[tilespmem:$0x1C000] =	vst v63  }
0x14e: {  	s30 =	simm.s32 $0x12000  }
0x14f: {  	[tilespmem:s30], [sflag:$0x5] =	stream.indirect_vreg.gather [hbm4b:s5+s3], $0x80, v3, vm0, $0xb8;
	[tilespmem:$0x1C000] =	vst v63  }
0x150: {  	s24 =	simm.s32 $0x12800  }
0x151: {  	[tilespmem:s24], [sflag:$0x5] =	stream.indirect_vreg.gather [hbm4b:s6+s3], $0x80, v3, vm0, $0xb8;
	[tilespmem:$0x1C000] =	vst v63  }
0x152: {  	_ =	swait.ge [sflag:s2], $0x3000  }
0x153: {  	s30 =	rddreg [dreg:$0x6];
	[sflag:s2] =	ssyncset.done $0x0  }
0x154: {  	[sflag:s2] =	ssyncadd.s32 $0xFFFFD000;
	s17 =	sadd.s32 s20, s30  }
0x155: {  	[hbm4b:s17+s3] =	stream.linear.scatter [tilespmem:s23], [sflag:$0xA], $0x3000, $0x38;
	[tilespmem:$0x1C000] =	vst v63  }
0x156: {  	_ =	swait.ge [sflag:s16], $0x3000  }
0x157: {  	[sflag:s16] =	ssyncset.done $0x0  }
0x158: {  	[sflag:s16] =	ssyncadd.s32 $0xFFFFD000  }
0x159: {  	v3 =	vld [tilespmem:s19+$0xFFFFFF00];
	_ =	sdelay $0x4  }
0x15a: {  	v61 =	vshrl.u32 v3, $0x3  }
0x15b: {  	v4 =	vmul.u32 $0x30, v61  }
0x15c: {  	v3 =	vand.u32 $0x7, v3  }
0x15d: {  	v3 =	vor.u32 v3, v4  }
0x15e: {  	v4 =	vperm.xlane v3, v0;
	_ =	sdelay $0x1  }
0x15f: {  	v4 =	vadd.s32 v1, v4;
	_ =	sdelay $0x3  }
0x160: {  	v3 =	vperm.xlane v3, v2  }
0x161: {  	[tilespmem:s0], [sflag:$0x6] =	stream.indirect_vreg.gather [hbm4b:s1+s3], $0x80, v4, vm0, $0xb8;
	[tilespmem:$0x1C000] =	vst v63  }
0x162: {  	s23 =	simm.s32 $0x13800;
	v3 =	vadd.s32 v1, v3  }
0x163: {  	[tilespmem:s23], [sflag:$0x6] =	stream.indirect_vreg.gather [hbm4b:s5+s3], $0x80, v4, vm0, $0xb8;
	[tilespmem:$0x1C000] =	vst v63  }
0x164: {  	s30 =	simm.s32 $0x14000  }
0x165: {  	[tilespmem:s30], [sflag:$0x6] =	stream.indirect_vreg.gather [hbm4b:s6+s3], $0x80, v4, vm0, $0xb8;
	[tilespmem:$0x1C000] =	vst v63  }
0x166: {  	s17 =	simm.s32 $0x14800  }
0x167: {  	[tilespmem:s17], [sflag:$0x6] =	stream.indirect_vreg.gather [hbm4b:s1+s3], $0x80, v3, vm0, $0xb8;
	[tilespmem:$0x1C000] =	vst v63  }
0x168: {  	s23 =	simm.s32 $0x15000  }
0x169: {  	[tilespmem:s23], [sflag:$0x6] =	stream.indirect_vreg.gather [hbm4b:s5+s3], $0x80, v3, vm0, $0xb8;
	[tilespmem:$0x1C000] =	vst v63  }
0x16a: {  	s30 =	simm.s32 $0x15800  }
0x16b: {  	[tilespmem:s30], [sflag:$0x6] =	stream.indirect_vreg.gather [hbm4b:s6+s3], $0x80, v3, vm0, $0xb8;
	[tilespmem:$0x1C000] =	vst v63  }
0x16c: {  	_ =	swait.ge [sflag:s13], $0x3000  }
0x16d: {  	s0 =	rddreg [dreg:$0x5];
	[sflag:s13] =	ssyncset.done $0x0  }
0x16e: {  	[sflag:s13] =	ssyncadd.s32 $0xFFFFD000;
	s17 =	sadd.s32 s20, s0  }
0x16f: {  	[hbm4b:s17+s3] =	stream.linear.scatter [tilespmem:s15], [sflag:$0xB], $0x3000, $0x38;
	[tilespmem:$0x1C000] =	vst v63  }
0x170: {  	_ =	swait.ge [sflag:s18], $0x3000  }
0x171: {  	[sflag:s18] =	ssyncset.done $0x0  }
0x172: {  	[sflag:s18] =	ssyncadd.s32 $0xFFFFD000  }
0x173: {  	v3 =	vld [tilespmem:s19+$0xFFFFFF80];
	_ =	sdelay $0x4  }
0x174: {  	v62 =	vshrl.u32 v3, $0x3  }
0x175: {  	v4 =	vmul.u32 $0x30, v62  }
0x176: {  	v3 =	vand.u32 $0x7, v3  }
0x177: {  	v3 =	vor.u32 v3, v4  }
0x178: {  	v4 =	vperm.xlane v3, v0;
	_ =	sdelay $0x1  }
0x179: {  	v4 =	vadd.s32 v1, v4;
	_ =	sdelay $0x3  }
0x17a: {  	v3 =	vperm.xlane v3, v2  }
0x17b: {  	[tilespmem:s14], [sflag:$0x7] =	stream.indirect_vreg.gather [hbm4b:s1+s3], $0x80, v4, vm0, $0xb8;
	[tilespmem:$0x1C000] =	vst v63  }
0x17c: {  	s17 =	simm.s32 $0x16800;
	v3 =	vadd.s32 v1, v3  }
0x17d: {  	[tilespmem:s17], [sflag:$0x7] =	stream.indirect_vreg.gather [hbm4b:s5+s3], $0x80, v4, vm0, $0xb8;
	[tilespmem:$0x1C000] =	vst v63  }
0x17e: {  	s23 =	simm.s32 $0x17000  }
0x17f: {  	[tilespmem:s23], [sflag:$0x7] =	stream.indirect_vreg.gather [hbm4b:s6+s3], $0x80, v4, vm0, $0xb8;
	[tilespmem:$0x1C000] =	vst v63  }
0x180: {  	s30 =	simm.s32 $0x17800  }
0x181: {  	[tilespmem:s30], [sflag:$0x7] =	stream.indirect_vreg.gather [hbm4b:s1+s3], $0x80, v3, vm0, $0xb8;
	[tilespmem:$0x1C000] =	vst v63  }
0x182: {  	s15 =	simm.s32 $0x18000  }
0x183: {  	[tilespmem:s15], [sflag:$0x7] =	stream.indirect_vreg.gather [hbm4b:s5+s3], $0x80, v3, vm0, $0xb8;
	[tilespmem:$0x1C000] =	vst v63  }
0x184: {  	s17 =	simm.s32 $0x18800  }
0x185: {  	[tilespmem:s17], [sflag:$0x7] =	stream.indirect_vreg.gather [hbm4b:s6+s3], $0x80, v3, vm0, $0xb8;
	[tilespmem:$0x1C000] =	vst v63  }
0x186: {  	_ =	swait.ge [sflag:s25], $0x3000  }
0x187: {  	s23 =	rddreg [dreg:$0x4];
	[sflag:s25] =	ssyncset.done $0x0  }
0x188: {  	s30 =	simm.s32 $0x10;
	[sflag:s25] =	ssyncadd.s32 $0xFFFFD000;
	s17 =	sadd.s32 s20, s23  }
0x189: {  	[hbm4b:s17+s3] =	stream.linear.scatter [tilespmem:s22], [sflag:$0xC], $0x3000, $0x38;
	[tilespmem:$0x1C000] =	vst v63  }
0x18a: {  	_ =	swait.ge [sflag:s30], $0x3000  }
0x18b: {  	[sflag:s30] =	ssyncset.done $0x0  }
0x18c: {  	[sflag:s30] =	ssyncadd.s32 $0xFFFFD000  }
0x18d: {  	v3 =	vld [tilespmem:s19+$0x0];
	_ =	sdelay $0x4  }
0x18e: {  	v63 =	vshrl.u32 v3, $0x3  }
0x18f: {  	v4 =	vmul.u32 $0x30, v63  }
0x190: {  	v3 =	vand.u32 $0x7, v3  }
0x191: {  	v3 =	vor.u32 v3, v4  }
0x192: {  	v4 =	vperm.xlane v3, v0;
	_ =	sdelay $0x1  }
0x193: {  	v4 =	vadd.s32 v1, v4;
	_ =	sdelay $0x3  }
0x194: {  	v3 =	vperm.xlane v3, v2  }
0x195: {  	[tilespmem:s7], [sflag:$0x8] =	stream.indirect_vreg.gather [hbm4b:s1+s3], $0x80, v4, vm0, $0xb8;
	[tilespmem:$0x1C000] =	vst v63  }
0x196: {  	s15 =	simm.s32 $0x19800;
	v3 =	vadd.s32 v1, v3  }
0x197: {  	[tilespmem:s15], [sflag:$0x8] =	stream.indirect_vreg.gather [hbm4b:s5+s3], $0x80, v4, vm0, $0xb8;
	[tilespmem:$0x1C000] =	vst v63  }
0x198: {  	s17 =	simm.s32 $0x1A000  }
0x199: {  	[tilespmem:s17], [sflag:$0x8] =	stream.indirect_vreg.gather [hbm4b:s6+s3], $0x80, v4, vm0, $0xb8;
	[tilespmem:$0x1C000] =	vst v63  }
0x19a: {  	p0 =	sne.s32 s20, $0x2A000;
	s22 =	simm.s32 $0x1A800  }
0x19b: {  	[tilespmem:s22], [sflag:$0x8] =	stream.indirect_vreg.gather [hbm4b:s1+s3], $0x80, v3, vm0, $0xb8;
	[tilespmem:$0x1C000] =	vst v63  }
.Ltmp0:
0x19c: {  	s21 =	simm.s32 $0x10000;
	s24 =	simm.s32 $0x13000;
	(pc) =	sbr.rel @p0 .LBB2_2-.Ltmp0, $4  }
0x19d: {  	s0 =	simm.s32 $0x16000;
	s14 =	simm.s32 $0x19000;
	s23 =	simm.s32 $0x1B000  }
0x19e: {  	[tilespmem:s23], [sflag:$0x8] =	stream.indirect_vreg.gather [hbm4b:s5+s3], $0x80, v3, vm0, $0xb8;
	[tilespmem:$0x1C000] =	vst v63  }
0x19f: {  	s20 =	sadd.s32 $0x3000, s20;
	s30 =	simm.s32 $0x1B800;
	s19 =	sadd.s32 $0x400, s19  }
0x1a0: {  	[tilespmem:s30], [sflag:$0x8] =	stream.indirect_vreg.gather [hbm4b:s6+s3], $0x80, v3, vm0, $0xb8;
	[tilespmem:$0x1C000] =	vst v63  }
0x1a1: {  	_ =	swait.ge [sflag:s26], $0x3000  }
0x1a2: {  	[sflag:s26] =	ssyncset.done $0x0  }
0x1a3: {  	s17 =	rddreg [dreg:$0xe];
	[sflag:s26] =	ssyncadd.s32 $0xFFFFD000  }
0x1a4: {  	[hbm4b:s17+s3] =	stream.linear.scatter [tilespmem:s21], [sflag:$0xD], $0x3000, $0x38;
	[tilespmem:$0x1C000] =	vst v63  }
0x1a5: {  	_ =	swait.ge [sflag:s28], $0x3000  }
0x1a6: {  	[sflag:s28] =	ssyncset.done $0x0  }
0x1a7: {  	[sflag:s28] =	ssyncadd.s32 $0xFFFFD000  }
0x1a8: {  	_ =	swait.ge [sflag:s29], $0x3000  }
0x1a9: {  	[sflag:s29] =	ssyncset.done $0x0  }
0x1aa: {  	s19 =	rddreg [dreg:$0xf];
	[sflag:s29] =	ssyncadd.s32 $0xFFFFD000  }
0x1ab: {  	[hbm4b:s19+s3] =	stream.linear.scatter [tilespmem:s24], [sflag:$0xE], $0x3000, $0x38;
	[tilespmem:$0x1C000] =	vst v63  }
0x1ac: {  	_ =	swait.ge [sflag:s31], $0x3000  }
0x1ad: {  	[sflag:s31] =	ssyncset.done $0x0  }
0x1ae: {  	[sflag:s31] =	ssyncadd.s32 $0xFFFFD000  }
0x1af: {  	_ =	swait.ge [sflag:s4], $0x3000  }
0x1b0: {  	[sflag:s4] =	ssyncset.done $0x0  }
0x1b1: {  	s20 =	rddreg [dreg:$0x10];
	[sflag:s4] =	ssyncadd.s32 $0xFFFFD000  }
0x1b2: {  	[hbm4b:s20+s3] =	stream.linear.scatter [tilespmem:s0], [sflag:$0xF], $0x3000, $0x38;
	[tilespmem:$0x1C000] =	vst v63  }
0x1b3: {  	_ =	swait.ge [sflag:s8], $0x3000  }
0x1b4: {  	[sflag:s8] =	ssyncset.done $0x0  }
0x1b5: {  	[sflag:s8] =	ssyncadd.s32 $0xFFFFD000  }
0x1b6: {  	_ =	swait.ge [sflag:s10], $0x3000  }
0x1b7: {  	[sflag:s10] =	ssyncset.done $0x0  }
0x1b8: {  	s22 =	rddreg [dreg:$0x11];
	[sflag:s10] =	ssyncadd.s32 $0xFFFFD000  }
0x1b9: {  	[hbm4b:s22+s3] =	stream.linear.scatter [tilespmem:s14], [sflag:$0x10], $0x3000, $0x38;
	[tilespmem:$0x1C000] =	vst v63  }
0x1ba: {  	_ =	swait.ge [sflag:s11], $0x3000  }
0x1bb: {  	[sflag:s11] =	ssyncset.done $0x0  }
0x1bc: {  	[sflag:s11] =	ssyncadd.s32 $0xFFFFD000  }
0x1bd: {  	_ =	swait.ge [sflag:s12], $0x3000  }
0x1be: {  	[sflag:s12] =	ssyncset.done $0x0  }
0x1bf: {  	[sflag:s12] =	ssyncadd.s32 $0xFFFFD000  }
0x1c0: {  	_ =	swait.ge [sflag:s16], $0x3000  }
0x1c1: {  	[sflag:s16] =	ssyncset.done $0x0  }
0x1c2: {  	[sflag:s16] =	ssyncadd.s32 $0xFFFFD000  }
0x1c3: {  	_ =	swait.ge [sflag:s18], $0x3000  }
0x1c4: {  	[sflag:s18] =	ssyncset.done $0x0  }
0x1c5: {  	s2 =	simm.s32 $0x10;
	[sflag:s18] =	ssyncadd.s32 $0xFFFFD000  }
0x1c6: {  	_ =	swait.ge [sflag:s2], $0x3000  }
0x1c7: {  	s7 =	rddreg [dreg:$0x13]  }
0x1c8: {  	s23 =	rddreg [dreg:$0x12];
	s7 =	sadd.s32 $0x1, s7  }
0x1c9: {  	s9 =	simm.s32 $0x5000;
	p0 =	sne.s32 s7, s23  }
.Ltmp1:
0x1ca: {  	s30 =	simm.s32 $0x7800;
	s15 =	simm.s32 $0x1;
	(pc) =	sbr.rel @p0 .LBB2_1-.Ltmp1, $4  }
0x1cb: {  	s13 =	simm.s32 $0x3;
	s19 =	simm.s32 $0x6000;
	s20 =	simm.s32 $0x4800  }
0x1cc: {  	s8 =	simm.s32 $0x7000;
	s10 =	simm.s32 $0x4000;
	[sflag:s2] =	ssyncset.done $0x0  }
0x1cd: {  	s22 =	simm.s32 $0x4;
	[sflag:s2] =	ssyncadd.s32 $0xFFFFD000;
	s2 =	simm.s32 $0x2  }
0x1ce: {  	[dreg:$0x13] =	wrdreg s7;
	s7 =	simm.s32 $0x5800;
	s23 =	simm.s32 $0x6800  }
0x1cf: {  	_ =	sfence.sel $0x180000  }
0x1d0: {  	[bflag:$0x0] =	sbarrier.arrive $0xFFFF  }
0x1d1: {  	_ =	strace $0x90000047  }
0x1d2: {  	s0 =	stileid.u32;
	[bflag:$0x2] =	sbarrier.arrive $0xFFFF  }
0x1d3: {  	p0 =	sne.s32 s0, $0x0;
	s0 =	rddreg [dreg:$0x3]  }
0x1d4: {  	s0 =	sadd.s32 @!p0 $0x100000, s0  }
0x1d5: {  	[sflag:s0] =	ssyncadd.tile.s32 @!p0 $0x1;
	_ =	shalt  }
.Lfunc_end2:
_tile_overlayer_lowered:
.L_overlay_start_2:
0x1d6: {  	(tag) =	ssettag $0x2  }
0x1d7: {  	s0 =	rddreg [dreg:$0x0];
	s2 =	stileid.u32  }
0x1d8: {  	s1 =	rddreg [dreg:$0x1];
	p0 =	sne.s32 s2, $0x0  }
0x1d9: {  	s3 =	rddreg [dreg:$0x2];
	[bflag:$0x3] =	sbarrier.arrive $0xFFFF;
	s2 =	simm.s32 @!p0 $0x1C11  }
0x1da: {  	[timem:s3], [sflag:s2] =	dma.local @!p0 [hbm:s0], s1  }
0x1db: {  	s0 =	simm.s32 @!p0 $0x11  }
0x1dc: {  	_ =	swait.ge @!p0 [sflag:s0], s1  }
0x1dd: {  	s1 =	ssub.s32 @!p0 $0x0, s1;
	[sflag:s0] =	ssyncset.done @!p0 $0x0  }
0x1de: {  	[sflag:s0] =	ssyncadd.s32 @!p0 s1  }
0x1df: {  	[bflag:$0x3] =	sbarrier.arrive $0xFFFF  }
0x1e0: {  	_ =	shalt  }

</sc_bundles>
